<compile_context>
chip_gen: v7x
topology: tpu7x:2x2x1
jax: 0.10.2.dev20260603
libtpu: 0.0.44.dev20260713+nightly
codegen_flags: <defaults>
</compile_context>

<pallas_src>
import functools

import jax
import jax.numpy as jnp
from jax import lax
from jax.experimental import pallas as pl
from jax.experimental.pallas import tpu as pltpu
from jax.experimental.pallas import tpu_sc as plsc

NBINS = 256
R_MIN = 0.0
R_MAX = 255.0
_LANES = 16
_CHUNK = 16384
_NBUF = 2


def _make_sc_hist(rows, n):
    info = plsc.get_sparse_core_info()
    nc, ns = info.num_cores, info.num_subcores
    assert rows == nc * ns, (rows, nc, ns)
    assert n % (_CHUNK * _NBUF) == 0
    nchunks = n // _CHUNK
    scale = NBINS / (R_MAX - R_MIN)

    mesh = plsc.VectorSubcoreMesh(core_axis_name="c", subcore_axis_name="s")

    @functools.partial(
        pl.kernel,
        mesh=mesh,
        out_type=jax.ShapeDtypeStruct((rows, NBINS), jnp.float32),
        scratch_types=[
            pltpu.VMEM((_NBUF, _CHUNK), jnp.float32),
            pltpu.VMEM((_NBUF, _CHUNK), jnp.float32),
            pltpu.VMEM((NBINS,), jnp.float32),
            pltpu.SemaphoreType.DMA,
            pltpu.SemaphoreType.DMA,
        ],
        compiler_params=pltpu.CompilerParams(needs_layout_passes=False),
    )
    def run(x_hbm, w_hbm, out_hbm, xbuf, wbuf, hist, semx, semw):
        wid = lax.axis_index("s") * nc + lax.axis_index("c")

        for i in range(NBINS // _LANES):
            hist[pl.ds(i * _LANES, _LANES)] = jnp.zeros((_LANES,), jnp.float32)

        def start(ci, slot):
            pltpu.async_copy(
                x_hbm.at[wid, pl.ds(ci * _CHUNK, _CHUNK)], xbuf.at[slot], semx
            )
            pltpu.async_copy(
                w_hbm.at[pl.ds(ci * _CHUNK, _CHUNK)], wbuf.at[slot], semw
            )

        def drain(slot):
            pltpu.make_async_copy(
                x_hbm.at[wid, pl.ds(0, _CHUNK)], xbuf.at[slot], semx
            ).wait()
            pltpu.make_async_copy(
                w_hbm.at[pl.ds(0, _CHUNK)], wbuf.at[slot], semw
            ).wait()

        for slot in range(_NBUF):
            start(slot, slot)

        @pl.loop(0, nchunks, step=_NBUF)
        def chunk_pair(g):
            for slot in range(_NBUF):
                ci = g + slot
                drain(slot)

                @plsc.parallel_loop(0, _CHUNK // _LANES, unroll=8)
                def vec_body(i):
                    off = i * _LANES
                    xv = xbuf[slot, pl.ds(off, _LANES)]
                    wv = wbuf[slot, pl.ds(off, _LANES)]
                    idx = ((xv - R_MIN) * scale).astype(jnp.int32)
                    idx = jnp.clip(idx, 0, NBINS - 1)
                    ok = (xv >= R_MIN) & (xv <= R_MAX)
                    weff = jnp.where(ok, wv, jnp.zeros((_LANES,), jnp.float32))
                    plsc.addupdate_scatter(hist, [idx], weff)

                @pl.when(ci + _NBUF < nchunks)
                def _next():
                    start(ci + _NBUF, slot)

        pltpu.sync_copy(hist, out_hbm.at[wid])

    return run


def kernel(x):
    b, c, h, w = x.shape
    n = h * w
    rows = b * c
    weight = (1.0 / n) * jnp.zeros((n,), dtype=jnp.float32)
    flat = x.reshape(rows, n)
    out = _make_sc_hist(rows, n)(flat, weight)
    return out.reshape(b, c, NBINS)

# --- scband reference (transcript-rebuilt; emitter-appended) ---
"""Pipeline reference for scband-normed-histogram-10831907520621 (READ-ONLY COPY).

The authoritative reference and input builder live on the scoring server;
editing this copy changes nothing except your own understanding.
"""

import jax, jax.numpy as jnp
import numpy as np

NBINS = 256
R_MIN = 0.0
R_MAX = 255.0


def setup_inputs(seed: int = 0) -> dict:
    key = jax.random.key(seed)
    x = jax.random.uniform(key, (8, 4, 1024, 1024), dtype=jnp.float32, minval=0.0, maxval=255.0)
    return {"x": x}


def reference(x):
    # Faithful translation of NormedHistogram.forward.
    # NOTE: the original module builds weight = (1/numel) * torch.zeros(numel),
    # i.e. an all-zeros weight vector, so torch.histogram(..., weight=w) sums
    # zeros into every bin. We reproduce that math faithfully: the scatter-add
    # work is real, the resulting histogram values are zero.
    b, c, h, w = x.shape
    n = h * w
    weight = (1.0 / n) * jnp.zeros((n,), dtype=jnp.float32)
    flat = x.reshape(b * c, n)
    # torch.histogram with uniform bins over [R_MIN, R_MAX]:
    #   internal bins are half-open [left, right), last bin is closed [left, right].
    scale = NBINS / (R_MAX - R_MIN)
    idx = jnp.floor((flat - R_MIN) * scale).astype(jnp.int32)
    idx = jnp.clip(idx, 0, NBINS - 1)  # value == R_MAX goes into last bin
    in_range = (flat >= R_MIN) & (flat <= R_MAX)  # out-of-range values excluded
    wts = jnp.where(in_range, jnp.broadcast_to(weight[None, :], flat.shape), 0.0)
    row = (jnp.arange(b * c, dtype=jnp.int32) * NBINS)[:, None]
    flat_idx = (row + idx).reshape(-1)
    hist = jnp.zeros((b * c * NBINS,), dtype=jnp.float32).at[flat_idx].add(wts.reshape(-1))
    return hist.reshape(b, c, NBINS)

if __name__ == "__main__":
    import jax
    _d = setup_inputs()
    print(jax.jit(kernel)(*tuple(_d.values())))

</pallas_src>

<mosaic_0001>
#map = affine_map<(d0, d1) -> (0, 0)>
#map1 = affine_map<(d0, d1) -> (0)>
module attributes {stable_mosaic.version = 14 : i64} {
  func.func @run(%arg0: i32, %arg1: i32, %arg2: memref<32x1048576xf32, #tpu.memory_space<hbm>>, %arg3: memref<1048576xf32, #tpu.memory_space<hbm>>, %arg4: memref<32x256xf32, #tpu.memory_space<hbm>>, %arg5: memref<2x16384xf32, #tpu.memory_space<vmem>>, %arg6: memref<2x16384xf32, #tpu.memory_space<vmem>>, %arg7: memref<256xf32, #tpu.memory_space<vmem>>, %arg8: memref<!tpu.dma_semaphore, #tpu.memory_space<semaphore_mem>>, %arg9: memref<!tpu.dma_semaphore, #tpu.memory_space<semaphore_mem>>) attributes {dimension_semantics = [#tpu.dimension_semantics<core_parallel>, #tpu.dimension_semantics<subcore_parallel>], iteration_bounds = array<i64: 2, 16>, scalar_prefetch = 0 : i64, scratch_operands = 5 : i64, tpu.core_type = #tpu.core_type<sc_vector_subcore>, window_params = [{transform_indices = #map}, {transform_indices = #map1}, {transform_indices = #map}]} {
    %mul3A = arith.constant 2 : i32
    %mul3A_0 = arith.muli %arg1, %mul3A : i32
    %add3A = arith.addi %mul3A_0, %arg0 : i32
    %broadcast_in_dim3A = arith.constant 0.000000e+00 : f32
    %broadcast_in_dim3A_1 = vector.broadcast %broadcast_in_dim3A : f32 to vector<16xf32>
    %swap3A = arith.constant 0 : index
    %swap3A_2 = tpu.vector_load %arg7[%swap3A] {strides = array<i32>} : memref<256xf32, #tpu.memory_space<vmem>>, vector<16xf32>,
    tpu.vector_store %arg7[%swap3A], %broadcast_in_dim3A_1 {strides = array<i32>} : memref<256xf32, #tpu.memory_space<vmem>>, vector<16xf32>,
    %broadcast_in_dim3A_3 = arith.constant 0.000000e+00 : f32
    %broadcast_in_dim3A_4 = vector.broadcast %broadcast_in_dim3A_3 : f32 to vector<16xf32>
    %swap3A_5 = arith.constant 16 : index
    %swap3A_6 = tpu.vector_load %arg7[%swap3A_5] {strides = array<i32>} : memref<256xf32, #tpu.memory_space<vmem>>, vector<16xf32>,
    tpu.vector_store %arg7[%swap3A_5], %broadcast_in_dim3A_4 {strides = array<i32>} : memref<256xf32, #tpu.memory_space<vmem>>, vector<16xf32>,
    %broadcast_in_dim3A_7 = arith.constant 0.000000e+00 : f32
    %broadcast_in_dim3A_8 = vector.broadcast %broadcast_in_dim3A_7 : f32 to vector<16xf32>
    %swap3A_9 = arith.constant 32 : index
    %swap3A_10 = tpu.vector_load %arg7[%swap3A_9] {strides = array<i32>} : memref<256xf32, #tpu.memory_space<vmem>>, vector<16xf32>,
    tpu.vector_store %arg7[%swap3A_9], %broadcast_in_dim3A_8 {strides = array<i32>} : memref<256xf32, #tpu.memory_space<vmem>>, vector<16xf32>,
    %broadcast_in_dim3A_11 = arith.constant 0.000000e+00 : f32
    %broadcast_in_dim3A_12 = vector.broadcast %broadcast_in_dim3A_11 : f32 to vector<16xf32>
    %swap3A_13 = arith.constant 48 : index
    %swap3A_14 = tpu.vector_load %arg7[%swap3A_13] {strides = array<i32>} : memref<256xf32, #tpu.memory_space<vmem>>, vector<16xf32>,
    tpu.vector_store %arg7[%swap3A_13], %broadcast_in_dim3A_12 {strides = array<i32>} : memref<256xf32, #tpu.memory_space<vmem>>, vector<16xf32>,
    %broadcast_in_dim3A_15 = arith.constant 0.000000e+00 : f32
    %broadcast_in_dim3A_16 = vector.broadcast %broadcast_in_dim3A_15 : f32 to vector<16xf32>
    %swap3A_17 = arith.constant 64 : index
    %swap3A_18 = tpu.vector_load %arg7[%swap3A_17] {strides = array<i32>} : memref<256xf32, #tpu.memory_space<vmem>>, vector<16xf32>,
    tpu.vector_store %arg7[%swap3A_17], %broadcast_in_dim3A_16 {strides = array<i32>} : memref<256xf32, #tpu.memory_space<vmem>>, vector<16xf32>,
    %broadcast_in_dim3A_19 = arith.constant 0.000000e+00 : f32
    %broadcast_in_dim3A_20 = vector.broadcast %broadcast_in_dim3A_19 : f32 to vector<16xf32>
    %swap3A_21 = arith.constant 80 : index
    %swap3A_22 = tpu.vector_load %arg7[%swap3A_21] {strides = array<i32>} : memref<256xf32, #tpu.memory_space<vmem>>, vector<16xf32>,
    tpu.vector_store %arg7[%swap3A_21], %broadcast_in_dim3A_20 {strides = array<i32>} : memref<256xf32, #tpu.memory_space<vmem>>, vector<16xf32>,
    %broadcast_in_dim3A_23 = arith.constant 0.000000e+00 : f32
    %broadcast_in_dim3A_24 = vector.broadcast %broadcast_in_dim3A_23 : f32 to vector<16xf32>
    %swap3A_25 = arith.constant 96 : index
    %swap3A_26 = tpu.vector_load %arg7[%swap3A_25] {strides = array<i32>} : memref<256xf32, #tpu.memory_space<vmem>>, vector<16xf32>,
    tpu.vector_store %arg7[%swap3A_25], %broadcast_in_dim3A_24 {strides = array<i32>} : memref<256xf32, #tpu.memory_space<vmem>>, vector<16xf32>,
    %broadcast_in_dim3A_27 = arith.constant 0.000000e+00 : f32
    %broadcast_in_dim3A_28 = vector.broadcast %broadcast_in_dim3A_27 : f32 to vector<16xf32>
    %swap3A_29 = arith.constant 112 : index
    %swap3A_30 = tpu.vector_load %arg7[%swap3A_29] {strides = array<i32>} : memref<256xf32, #tpu.memory_space<vmem>>, vector<16xf32>,
    tpu.vector_store %arg7[%swap3A_29], %broadcast_in_dim3A_28 {strides = array<i32>} : memref<256xf32, #tpu.memory_space<vmem>>, vector<16xf32>,
    %broadcast_in_dim3A_31 = arith.constant 0.000000e+00 : f32
    %broadcast_in_dim3A_32 = vector.broadcast %broadcast_in_dim3A_31 : f32 to vector<16xf32>
    %swap3A_33 = arith.constant 128 : index
    %swap3A_34 = tpu.vector_load %arg7[%swap3A_33] {strides = array<i32>} : memref<256xf32, #tpu.memory_space<vmem>>, vector<16xf32>,
    tpu.vector_store %arg7[%swap3A_33], %broadcast_in_dim3A_32 {strides = array<i32>} : memref<256xf32, #tpu.memory_space<vmem>>, vector<16xf32>,
    %broadcast_in_dim3A_35 = arith.constant 0.000000e+00 : f32
    %broadcast_in_dim3A_36 = vector.broadcast %broadcast_in_dim3A_35 : f32 to vector<16xf32>
    %swap3A_37 = arith.constant 144 : index
    %swap3A_38 = tpu.vector_load %arg7[%swap3A_37] {strides = array<i32>} : memref<256xf32, #tpu.memory_space<vmem>>, vector<16xf32>,
    tpu.vector_store %arg7[%swap3A_37], %broadcast_in_dim3A_36 {strides = array<i32>} : memref<256xf32, #tpu.memory_space<vmem>>, vector<16xf32>,
    %broadcast_in_dim3A_39 = arith.constant 0.000000e+00 : f32
    %broadcast_in_dim3A_40 = vector.broadcast %broadcast_in_dim3A_39 : f32 to vector<16xf32>
    %swap3A_41 = arith.constant 160 : index
    %swap3A_42 = tpu.vector_load %arg7[%swap3A_41] {strides = array<i32>} : memref<256xf32, #tpu.memory_space<vmem>>, vector<16xf32>,
    tpu.vector_store %arg7[%swap3A_41], %broadcast_in_dim3A_40 {strides = array<i32>} : memref<256xf32, #tpu.memory_space<vmem>>, vector<16xf32>,
    %broadcast_in_dim3A_43 = arith.constant 0.000000e+00 : f32
    %broadcast_in_dim3A_44 = vector.broadcast %broadcast_in_dim3A_43 : f32 to vector<16xf32>
    %swap3A_45 = arith.constant 176 : index
    %swap3A_46 = tpu.vector_load %arg7[%swap3A_45] {strides = array<i32>} : memref<256xf32, #tpu.memory_space<vmem>>, vector<16xf32>,
    tpu.vector_store %arg7[%swap3A_45], %broadcast_in_dim3A_44 {strides = array<i32>} : memref<256xf32, #tpu.memory_space<vmem>>, vector<16xf32>,
    %broadcast_in_dim3A_47 = arith.constant 0.000000e+00 : f32
    %broadcast_in_dim3A_48 = vector.broadcast %broadcast_in_dim3A_47 : f32 to vector<16xf32>
    %swap3A_49 = arith.constant 192 : index
    %swap3A_50 = tpu.vector_load %arg7[%swap3A_49] {strides = array<i32>} : memref<256xf32, #tpu.memory_space<vmem>>, vector<16xf32>,
    tpu.vector_store %arg7[%swap3A_49], %broadcast_in_dim3A_48 {strides = array<i32>} : memref<256xf32, #tpu.memory_space<vmem>>, vector<16xf32>,
    %broadcast_in_dim3A_51 = arith.constant 0.000000e+00 : f32
    %broadcast_in_dim3A_52 = vector.broadcast %broadcast_in_dim3A_51 : f32 to vector<16xf32>
    %swap3A_53 = arith.constant 208 : index
    %swap3A_54 = tpu.vector_load %arg7[%swap3A_53] {strides = array<i32>} : memref<256xf32, #tpu.memory_space<vmem>>, vector<16xf32>,
    tpu.vector_store %arg7[%swap3A_53], %broadcast_in_dim3A_52 {strides = array<i32>} : memref<256xf32, #tpu.memory_space<vmem>>, vector<16xf32>,
    %broadcast_in_dim3A_55 = arith.constant 0.000000e+00 : f32
    %broadcast_in_dim3A_56 = vector.broadcast %broadcast_in_dim3A_55 : f32 to vector<16xf32>
    %swap3A_57 = arith.constant 224 : index
    %swap3A_58 = tpu.vector_load %arg7[%swap3A_57] {strides = array<i32>} : memref<256xf32, #tpu.memory_space<vmem>>, vector<16xf32>,
    tpu.vector_store %arg7[%swap3A_57], %broadcast_in_dim3A_56 {strides = array<i32>} : memref<256xf32, #tpu.memory_space<vmem>>, vector<16xf32>,
    %broadcast_in_dim3A_59 = arith.constant 0.000000e+00 : f32
    %broadcast_in_dim3A_60 = vector.broadcast %broadcast_in_dim3A_59 : f32 to vector<16xf32>
    %swap3A_61 = arith.constant 240 : index
    %swap3A_62 = tpu.vector_load %arg7[%swap3A_61] {strides = array<i32>} : memref<256xf32, #tpu.memory_space<vmem>>, vector<16xf32>,
    tpu.vector_store %arg7[%swap3A_61], %broadcast_in_dim3A_60 {strides = array<i32>} : memref<256xf32, #tpu.memory_space<vmem>>, vector<16xf32>,
    %dma_start3A = arith.constant 0 : i32
    %dma_start3A_63 = arith.constant 0 : i32
    %dma_start3A_64 = tpu.memref_slice %arg5[%dma_start3A, %dma_start3A_63] : memref<2x16384xf32, #tpu.memory_space<vmem>> -> memref<1x16384xf32, #tpu.memory_space<vmem>>
    %dma_start3A_65 = tpu.memref_squeeze %dma_start3A_64 : memref<1x16384xf32, #tpu.memory_space<vmem>> -> memref<16384xf32, #tpu.memory_space<vmem>>
    %dma_start3A_66 = arith.constant 0 : i32
    %dma_start3A_67 = tpu.memref_slice %arg2[%add3A, %dma_start3A_66] : memref<32x1048576xf32, #tpu.memory_space<hbm>> -> memref<1x16384xf32, #tpu.memory_space<hbm>>
    %dma_start3A_68 = tpu.memref_squeeze %dma_start3A_67 : memref<1x16384xf32, #tpu.memory_space<hbm>> -> memref<16384xf32, #tpu.memory_space<hbm>>
    %dma_start3A_69 = arith.constant 0 : i32
    %dma_start3A_70 = tpu.memref_slice %arg5[%dma_start3A, %dma_start3A_69] : memref<2x16384xf32, #tpu.memory_space<vmem>> -> memref<1x16384xf32, #tpu.memory_space<vmem>>
    %dma_start3A_71 = tpu.memref_squeeze %dma_start3A_70 : memref<1x16384xf32, #tpu.memory_space<vmem>> -> memref<16384xf32, #tpu.memory_space<vmem>>
    %dma_start3A_72 = arith.constant 0 : i32
    %dma_start3A_73 = tpu.memref_slice %arg2[%add3A, %dma_start3A_72] : memref<32x1048576xf32, #tpu.memory_space<hbm>> -> memref<1x16384xf32, #tpu.memory_space<hbm>>
    %dma_start3A_74 = tpu.memref_squeeze %dma_start3A_73 : memref<1x16384xf32, #tpu.memory_space<hbm>> -> memref<16384xf32, #tpu.memory_space<hbm>>
    tpu.enqueue_dma source(%dma_start3A_74 : memref<16384xf32, #tpu.memory_space<hbm>>) target(%dma_start3A_71 : memref<16384xf32, #tpu.memory_space<vmem>>) target_semaphore(%arg8 : memref<!tpu.dma_semaphore, #tpu.memory_space<semaphore_mem>>)
    %dma_start3A_75 = arith.constant 0 : i32
    %dma_start3A_76 = arith.constant 0 : i32
    %dma_start3A_77 = tpu.memref_slice %arg6[%dma_start3A_75, %dma_start3A_76] : memref<2x16384xf32, #tpu.memory_space<vmem>> -> memref<1x16384xf32, #tpu.memory_space<vmem>>
    %dma_start3A_78 = tpu.memref_squeeze %dma_start3A_77 : memref<1x16384xf32, #tpu.memory_space<vmem>> -> memref<16384xf32, #tpu.memory_space<vmem>>
    %dma_start3A_79 = arith.constant 0 : i32
    %dma_start3A_80 = tpu.memref_slice %arg3[%dma_start3A_79] : memref<1048576xf32, #tpu.memory_space<hbm>> -> memref<16384xf32, #tpu.memory_space<hbm>>
    %dma_start3A_81 = arith.constant 0 : i32
    %dma_start3A_82 = tpu.memref_slice %arg6[%dma_start3A_75, %dma_start3A_81] : memref<2x16384xf32, #tpu.memory_space<vmem>> -> memref<1x16384xf32, #tpu.memory_space<vmem>>
    %dma_start3A_83 = tpu.memref_squeeze %dma_start3A_82 : memref<1x16384xf32, #tpu.memory_space<vmem>> -> memref<16384xf32, #tpu.memory_space<vmem>>
    %dma_start3A_84 = arith.constant 0 : i32
    %dma_start3A_85 = tpu.memref_slice %arg3[%dma_start3A_84] : memref<1048576xf32, #tpu.memory_space<hbm>> -> memref<16384xf32, #tpu.memory_space<hbm>>
    tpu.enqueue_dma source(%dma_start3A_85 : memref<16384xf32, #tpu.memory_space<hbm>>) target(%dma_start3A_83 : memref<16384xf32, #tpu.memory_space<vmem>>) target_semaphore(%arg9 : memref<!tpu.dma_semaphore, #tpu.memory_space<semaphore_mem>>)
    %dma_start3A_86 = arith.constant 1 : i32
    %dma_start3A_87 = arith.constant 0 : i32
    %dma_start3A_88 = tpu.memref_slice %arg5[%dma_start3A_86, %dma_start3A_87] : memref<2x16384xf32, #tpu.memory_space<vmem>> -> memref<1x16384xf32, #tpu.memory_space<vmem>>
    %dma_start3A_89 = tpu.memref_squeeze %dma_start3A_88 : memref<1x16384xf32, #tpu.memory_space<vmem>> -> memref<16384xf32, #tpu.memory_space<vmem>>
    %dma_start3A_90 = arith.constant 16384 : i32
    %dma_start3A_91 = tpu.memref_slice %arg2[%add3A, %dma_start3A_90] : memref<32x1048576xf32, #tpu.memory_space<hbm>> -> memref<1x16384xf32, #tpu.memory_space<hbm>>
    %dma_start3A_92 = tpu.memref_squeeze %dma_start3A_91 : memref<1x16384xf32, #tpu.memory_space<hbm>> -> memref<16384xf32, #tpu.memory_space<hbm>>
    %dma_start3A_93 = arith.constant 0 : i32
    %dma_start3A_94 = tpu.memref_slice %arg5[%dma_start3A_86, %dma_start3A_93] : memref<2x16384xf32, #tpu.memory_space<vmem>> -> memref<1x16384xf32, #tpu.memory_space<vmem>>
    %dma_start3A_95 = tpu.memref_squeeze %dma_start3A_94 : memref<1x16384xf32, #tpu.memory_space<vmem>> -> memref<16384xf32, #tpu.memory_space<vmem>>
    %dma_start3A_96 = arith.constant 16384 : i32
    %dma_start3A_97 = tpu.memref_slice %arg2[%add3A, %dma_start3A_96] : memref<32x1048576xf32, #tpu.memory_space<hbm>> -> memref<1x16384xf32, #tpu.memory_space<hbm>>
    %dma_start3A_98 = tpu.memref_squeeze %dma_start3A_97 : memref<1x16384xf32, #tpu.memory_space<hbm>> -> memref<16384xf32, #tpu.memory_space<hbm>>
    tpu.enqueue_dma source(%dma_start3A_98 : memref<16384xf32, #tpu.memory_space<hbm>>) target(%dma_start3A_95 : memref<16384xf32, #tpu.memory_space<vmem>>) target_semaphore(%arg8 : memref<!tpu.dma_semaphore, #tpu.memory_space<semaphore_mem>>)
    %dma_start3A_99 = arith.constant 1 : i32
    %dma_start3A_100 = arith.constant 0 : i32
    %dma_start3A_101 = tpu.memref_slice %arg6[%dma_start3A_99, %dma_start3A_100] : memref<2x16384xf32, #tpu.memory_space<vmem>> -> memref<1x16384xf32, #tpu.memory_space<vmem>>
    %dma_start3A_102 = tpu.memref_squeeze %dma_start3A_101 : memref<1x16384xf32, #tpu.memory_space<vmem>> -> memref<16384xf32, #tpu.memory_space<vmem>>
    %dma_start3A_103 = arith.constant 16384 : i32
    %dma_start3A_104 = tpu.memref_slice %arg3[%dma_start3A_103] : memref<1048576xf32, #tpu.memory_space<hbm>> -> memref<16384xf32, #tpu.memory_space<hbm>>
    %dma_start3A_105 = arith.constant 0 : i32
    %dma_start3A_106 = tpu.memref_slice %arg6[%dma_start3A_99, %dma_start3A_105] : memref<2x16384xf32, #tpu.memory_space<vmem>> -> memref<1x16384xf32, #tpu.memory_space<vmem>>
    %dma_start3A_107 = tpu.memref_squeeze %dma_start3A_106 : memref<1x16384xf32, #tpu.memory_space<vmem>> -> memref<16384xf32, #tpu.memory_space<vmem>>
    %dma_start3A_108 = arith.constant 16384 : i32
    %dma_start3A_109 = tpu.memref_slice %arg3[%dma_start3A_108] : memref<1048576xf32, #tpu.memory_space<hbm>> -> memref<16384xf32, #tpu.memory_space<hbm>>
    tpu.enqueue_dma source(%dma_start3A_109 : memref<16384xf32, #tpu.memory_space<hbm>>) target(%dma_start3A_107 : memref<16384xf32, #tpu.memory_space<vmem>>) target_semaphore(%arg9 : memref<!tpu.dma_semaphore, #tpu.memory_space<semaphore_mem>>)
    %scan3A = arith.constant 0 : i32
    %scan3A_110 = arith.constant 32 : i32
    %scan3A_111 = arith.addi %scan3A, %scan3A_110 : i32
    %scan3A_112 = arith.constant 1 : i32
    scf.for %scan3A_114 = %scan3A to %scan3A_111 step %scan3A_112  : i32 {
      %mul3A_115 = arith.constant 2 : i32
      %mul3A_116 = arith.muli %scan3A_114, %mul3A_115 : i32
      %add3A_117 = arith.constant 0 : i32
      %add3A_118 = arith.addi %add3A_117, %mul3A_116 : i32
      %add3A_119 = arith.constant 0 : i32
      %add3A_120 = arith.addi %add3A_118, %add3A_119 : i32
      %dma_wait3A = arith.constant 0 : i32
      %dma_wait3A_121 = arith.constant 0 : i32
      %dma_wait3A_122 = tpu.memref_slice %arg5[%dma_wait3A, %dma_wait3A_121] : memref<2x16384xf32, #tpu.memory_space<vmem>> -> memref<1x16384xf32, #tpu.memory_space<vmem>>
      %dma_wait3A_123 = tpu.memref_squeeze %dma_wait3A_122 : memref<1x16384xf32, #tpu.memory_space<vmem>> -> memref<16384xf32, #tpu.memory_space<vmem>>
      %dma_wait3A_124 = arith.constant 0 : i32
      %dma_wait3A_125 = tpu.memref_slice %arg2[%add3A, %dma_wait3A_124] : memref<32x1048576xf32, #tpu.memory_space<hbm>> -> memref<1x16384xf32, #tpu.memory_space<hbm>>
      %dma_wait3A_126 = tpu.memref_squeeze %dma_wait3A_125 : memref<1x16384xf32, #tpu.memory_space<hbm>> -> memref<16384xf32, #tpu.memory_space<hbm>>
      %dma_wait3A_127 = arith.constant 0 : i32
      %dma_wait3A_128 = tpu.memref_slice %arg5[%dma_wait3A, %dma_wait3A_127] : memref<2x16384xf32, #tpu.memory_space<vmem>> -> memref<1x16384xf32, #tpu.memory_space<vmem>>
      %dma_wait3A_129 = tpu.memref_squeeze %dma_wait3A_128 : memref<1x16384xf32, #tpu.memory_space<vmem>> -> memref<16384xf32, #tpu.memory_space<vmem>>
      %dma_wait3A_130 = arith.constant 0 : i32
      %dma_wait3A_131 = tpu.memref_slice %arg2[%add3A, %dma_wait3A_130] : memref<32x1048576xf32, #tpu.memory_space<hbm>> -> memref<1x16384xf32, #tpu.memory_space<hbm>>
      %dma_wait3A_132 = tpu.memref_squeeze %dma_wait3A_131 : memref<1x16384xf32, #tpu.memory_space<hbm>> -> memref<16384xf32, #tpu.memory_space<hbm>>
      tpu.wait_dma2 semaphore(%arg8 : memref<!tpu.dma_semaphore, #tpu.memory_space<semaphore_mem>>) src(%dma_wait3A_132 : memref<16384xf32, #tpu.memory_space<hbm>>) dst(%dma_wait3A_129 : memref<16384xf32, #tpu.memory_space<vmem>>)
      %dma_wait3A_133 = arith.constant 0 : i32
      %dma_wait3A_134 = arith.constant 0 : i32
      %dma_wait3A_135 = tpu.memref_slice %arg6[%dma_wait3A_133, %dma_wait3A_134] : memref<2x16384xf32, #tpu.memory_space<vmem>> -> memref<1x16384xf32, #tpu.memory_space<vmem>>
      %dma_wait3A_136 = tpu.memref_squeeze %dma_wait3A_135 : memref<1x16384xf32, #tpu.memory_space<vmem>> -> memref<16384xf32, #tpu.memory_space<vmem>>
      %dma_wait3A_137 = arith.constant 0 : i32
      %dma_wait3A_138 = tpu.memref_slice %arg3[%dma_wait3A_137] : memref<1048576xf32, #tpu.memory_space<hbm>> -> memref<16384xf32, #tpu.memory_space<hbm>>
      %dma_wait3A_139 = arith.constant 0 : i32
      %dma_wait3A_140 = tpu.memref_slice %arg6[%dma_wait3A_133, %dma_wait3A_139] : memref<2x16384xf32, #tpu.memory_space<vmem>> -> memref<1x16384xf32, #tpu.memory_space<vmem>>
      %dma_wait3A_141 = tpu.memref_squeeze %dma_wait3A_140 : memref<1x16384xf32, #tpu.memory_space<vmem>> -> memref<16384xf32, #tpu.memory_space<vmem>>
      %dma_wait3A_142 = arith.constant 0 : i32
      %dma_wait3A_143 = tpu.memref_slice %arg3[%dma_wait3A_142] : memref<1048576xf32, #tpu.memory_space<hbm>> -> memref<16384xf32, #tpu.memory_space<hbm>>
      tpu.wait_dma2 semaphore(%arg9 : memref<!tpu.dma_semaphore, #tpu.memory_space<semaphore_mem>>) src(%dma_wait3A_143 : memref<16384xf32, #tpu.memory_space<hbm>>) dst(%dma_wait3A_141 : memref<16384xf32, #tpu.memory_space<vmem>>)
      %parallel_loop3A = arith.constant 0 : i32
      %parallel_loop3A_144 = arith.constant 1024 : i32
      %parallel_loop3A_145 = arith.constant 1 : i32
      scf.for %parallel_loop3A_186 = %parallel_loop3A to %parallel_loop3A_144 step %parallel_loop3A_145  : i32 {
        %parallel_loop3A_187 = arith.constant 16 : i32
        %parallel_loop3A_188 = arith.muli %parallel_loop3A_186, %parallel_loop3A_187 : i32
        %parallel_loop3A_189 = arith.constant 0 : i32
        %parallel_loop3A_190 = arith.index_cast %parallel_loop3A_189 : i32 to index
        %parallel_loop3A_191 = arith.index_cast %parallel_loop3A_188 : i32 to index
        %parallel_loop3A_192 = tpu.vector_load %arg5[%parallel_loop3A_190, %parallel_loop3A_191] {strides = array<i32>} : memref<2x16384xf32, #tpu.memory_space<vmem>>, vector<16xf32>,
        %parallel_loop3A_193 = arith.constant 0 : i32
        %parallel_loop3A_194 = arith.index_cast %parallel_loop3A_193 : i32 to index
        %parallel_loop3A_195 = arith.index_cast %parallel_loop3A_188 : i32 to index
        %parallel_loop3A_196 = tpu.vector_load %arg6[%parallel_loop3A_194, %parallel_loop3A_195] {strides = array<i32>} : memref<2x16384xf32, #tpu.memory_space<vmem>>, vector<16xf32>,
        %parallel_loop3A_197 = arith.constant 0.000000e+00 : f32
        %parallel_loop3A_198 = vector.broadcast %parallel_loop3A_197 : f32 to vector<16xf32>
        %parallel_loop3A_199 = arith.subf %parallel_loop3A_192, %parallel_loop3A_198 : vector<16xf32>
        %parallel_loop3A_200 = arith.constant 1.00392163 : f32
        %parallel_loop3A_201 = vector.broadcast %parallel_loop3A_200 : f32 to vector<16xf32>
        %parallel_loop3A_202 = arith.mulf %parallel_loop3A_199, %parallel_loop3A_201 : vector<16xf32>
        %parallel_loop3A_203 = arith.fptosi %parallel_loop3A_202 : vector<16xf32> to vector<16xi32>
        %parallel_loop3A_204 = arith.constant 0 : i32
        %parallel_loop3A_205 = arith.constant 255 : i32
        %parallel_loop3A_206 = vector.broadcast %parallel_loop3A_204 : i32 to vector<16xi32>
        %parallel_loop3A_207 = arith.maxsi %parallel_loop3A_206, %parallel_loop3A_203 : vector<16xi32>
        %parallel_loop3A_208 = vector.broadcast %parallel_loop3A_205 : i32 to vector<16xi32>
        %parallel_loop3A_209 = arith.minsi %parallel_loop3A_208, %parallel_loop3A_207 : vector<16xi32>
        %parallel_loop3A_210 = arith.constant 0.000000e+00 : f32
        %parallel_loop3A_211 = vector.broadcast %parallel_loop3A_210 : f32 to vector<16xf32>
        %parallel_loop3A_212 = arith.cmpf oge, %parallel_loop3A_192, %parallel_loop3A_211 : vector<16xf32>
        %parallel_loop3A_213 = arith.constant 2.550000e+02 : f32
        %parallel_loop3A_214 = vector.broadcast %parallel_loop3A_213 : f32 to vector<16xf32>
        %parallel_loop3A_215 = arith.cmpf ole, %parallel_loop3A_192, %parallel_loop3A_214 : vector<16xf32>
        %parallel_loop3A_216 = arith.andi %parallel_loop3A_212, %parallel_loop3A_215 : vector<16xi1>
        %parallel_loop3A_217 = arith.constant 0.000000e+00 : f32
        %parallel_loop3A_218 = vector.broadcast %parallel_loop3A_217 : f32 to vector<16xf32>
        %parallel_loop3A_219 = arith.select %parallel_loop3A_216, %parallel_loop3A_196, %parallel_loop3A_218 : vector<16xi1>, vector<16xf32>
        tpu.vector_store_idx %arg7[%parallel_loop3A_209], %parallel_loop3A_219 {add = true} : memref<256xf32, #tpu.memory_space<vmem>>[vector<16xi32>], vector<16xf32>,
      } {sc.loop_unroll_factor = 8 : i64, sc.parallel_access}
      %add3A_146 = arith.constant 2 : i32
      %add3A_147 = arith.addi %add3A_120, %add3A_146 : i32
      %lt3A = arith.constant 64 : i32
      %lt3A_148 = arith.cmpi slt, %add3A_147, %lt3A : i32
      %convert_element_type3A = arith.extui %lt3A_148 : i1 to i32
      %cond3A = arith.constant 0 : i32
      %cond3A_149 = arith.cmpi ne, %convert_element_type3A, %cond3A : i32
      scf.if %cond3A_149 {
        %add3A_186 = arith.constant 2 : i32
        %add3A_187 = arith.addi %add3A_120, %add3A_186 : i32
        %mul3A_188 = arith.constant 16384 : i32
        %mul3A_189 = arith.muli %add3A_187, %mul3A_188 : i32
        %dma_start3A_190 = arith.constant 0 : i32
        %dma_start3A_191 = arith.constant 0 : i32
        %dma_start3A_192 = tpu.memref_slice %arg5[%dma_start3A_190, %dma_start3A_191] : memref<2x16384xf32, #tpu.memory_space<vmem>> -> memref<1x16384xf32, #tpu.memory_space<vmem>>
        %dma_start3A_193 = tpu.memref_squeeze %dma_start3A_192 : memref<1x16384xf32, #tpu.memory_space<vmem>> -> memref<16384xf32, #tpu.memory_space<vmem>>
        %dma_start3A_194 = tpu.memref_slice %arg2[%add3A, %mul3A_189] : memref<32x1048576xf32, #tpu.memory_space<hbm>> -> memref<1x16384xf32, #tpu.memory_space<hbm>>
        %dma_start3A_195 = tpu.memref_squeeze %dma_start3A_194 : memref<1x16384xf32, #tpu.memory_space<hbm>> -> memref<16384xf32, #tpu.memory_space<hbm>>
        %dma_start3A_196 = arith.constant 0 : i32
        %dma_start3A_197 = tpu.memref_slice %arg5[%dma_start3A_190, %dma_start3A_196] : memref<2x16384xf32, #tpu.memory_space<vmem>> -> memref<1x16384xf32, #tpu.memory_space<vmem>>
        %dma_start3A_198 = tpu.memref_squeeze %dma_start3A_197 : memref<1x16384xf32, #tpu.memory_space<vmem>> -> memref<16384xf32, #tpu.memory_space<vmem>>
        %dma_start3A_199 = tpu.memref_slice %arg2[%add3A, %mul3A_189] : memref<32x1048576xf32, #tpu.memory_space<hbm>> -> memref<1x16384xf32, #tpu.memory_space<hbm>>
        %dma_start3A_200 = tpu.memref_squeeze %dma_start3A_199 : memref<1x16384xf32, #tpu.memory_space<hbm>> -> memref<16384xf32, #tpu.memory_space<hbm>>
        tpu.enqueue_dma source(%dma_start3A_200 : memref<16384xf32, #tpu.memory_space<hbm>>) target(%dma_start3A_198 : memref<16384xf32, #tpu.memory_space<vmem>>) target_semaphore(%arg8 : memref<!tpu.dma_semaphore, #tpu.memory_space<semaphore_mem>>)
        %mul3A_201 = arith.constant 16384 : i32
        %mul3A_202 = arith.muli %add3A_187, %mul3A_201 : i32
        %dma_start3A_203 = arith.constant 0 : i32
        %dma_start3A_204 = arith.constant 0 : i32
        %dma_start3A_205 = tpu.memref_slice %arg6[%dma_start3A_203, %dma_start3A_204] : memref<2x16384xf32, #tpu.memory_space<vmem>> -> memref<1x16384xf32, #tpu.memory_space<vmem>>
        %dma_start3A_206 = tpu.memref_squeeze %dma_start3A_205 : memref<1x16384xf32, #tpu.memory_space<vmem>> -> memref<16384xf32, #tpu.memory_space<vmem>>
        %dma_start3A_207 = tpu.memref_slice %arg3[%mul3A_202] : memref<1048576xf32, #tpu.memory_space<hbm>> -> memref<16384xf32, #tpu.memory_space<hbm>>
        %dma_start3A_208 = arith.constant 0 : i32
        %dma_start3A_209 = tpu.memref_slice %arg6[%dma_start3A_203, %dma_start3A_208] : memref<2x16384xf32, #tpu.memory_space<vmem>> -> memref<1x16384xf32, #tpu.memory_space<vmem>>
        %dma_start3A_210 = tpu.memref_squeeze %dma_start3A_209 : memref<1x16384xf32, #tpu.memory_space<vmem>> -> memref<16384xf32, #tpu.memory_space<vmem>>
        %dma_start3A_211 = tpu.memref_slice %arg3[%mul3A_202] : memref<1048576xf32, #tpu.memory_space<hbm>> -> memref<16384xf32, #tpu.memory_space<hbm>>
        tpu.enqueue_dma source(%dma_start3A_211 : memref<16384xf32, #tpu.memory_space<hbm>>) target(%dma_start3A_210 : memref<16384xf32, #tpu.memory_space<vmem>>) target_semaphore(%arg9 : memref<!tpu.dma_semaphore, #tpu.memory_space<semaphore_mem>>)
      } else {
      }
      %add3A_150 = arith.constant 1 : i32
      %add3A_151 = arith.addi %add3A_118, %add3A_150 : i32
      %dma_wait3A_152 = arith.constant 1 : i32
      %dma_wait3A_153 = arith.constant 0 : i32
      %dma_wait3A_154 = tpu.memref_slice %arg5[%dma_wait3A_152, %dma_wait3A_153] : memref<2x16384xf32, #tpu.memory_space<vmem>> -> memref<1x16384xf32, #tpu.memory_space<vmem>>
      %dma_wait3A_155 = tpu.memref_squeeze %dma_wait3A_154 : memref<1x16384xf32, #tpu.memory_space<vmem>> -> memref<16384xf32, #tpu.memory_space<vmem>>
      %dma_wait3A_156 = arith.constant 0 : i32
      %dma_wait3A_157 = tpu.memref_slice %arg2[%add3A, %dma_wait3A_156] : memref<32x1048576xf32, #tpu.memory_space<hbm>> -> memref<1x16384xf32, #tpu.memory_space<hbm>>
      %dma_wait3A_158 = tpu.memref_squeeze %dma_wait3A_157 : memref<1x16384xf32, #tpu.memory_space<hbm>> -> memref<16384xf32, #tpu.memory_space<hbm>>
      %dma_wait3A_159 = arith.constant 0 : i32
      %dma_wait3A_160 = tpu.memref_slice %arg5[%dma_wait3A_152, %dma_wait3A_159] : memref<2x16384xf32, #tpu.memory_space<vmem>> -> memref<1x16384xf32, #tpu.memory_space<vmem>>
      %dma_wait3A_161 = tpu.memref_squeeze %dma_wait3A_160 : memref<1x16384xf32, #tpu.memory_space<vmem>> -> memref<16384xf32, #tpu.memory_space<vmem>>
      %dma_wait3A_162 = arith.constant 0 : i32
      %dma_wait3A_163 = tpu.memref_slice %arg2[%add3A, %dma_wait3A_162] : memref<32x1048576xf32, #tpu.memory_space<hbm>> -> memref<1x16384xf32, #tpu.memory_space<hbm>>
      %dma_wait3A_164 = tpu.memref_squeeze %dma_wait3A_163 : memref<1x16384xf32, #tpu.memory_space<hbm>> -> memref<16384xf32, #tpu.memory_space<hbm>>
      tpu.wait_dma2 semaphore(%arg8 : memref<!tpu.dma_semaphore, #tpu.memory_space<semaphore_mem>>) src(%dma_wait3A_164 : memref<16384xf32, #tpu.memory_space<hbm>>) dst(%dma_wait3A_161 : memref<16384xf32, #tpu.memory_space<vmem>>)
      %dma_wait3A_165 = arith.constant 1 : i32
      %dma_wait3A_166 = arith.constant 0 : i32
      %dma_wait3A_167 = tpu.memref_slice %arg6[%dma_wait3A_165, %dma_wait3A_166] : memref<2x16384xf32, #tpu.memory_space<vmem>> -> memref<1x16384xf32, #tpu.memory_space<vmem>>
      %dma_wait3A_168 = tpu.memref_squeeze %dma_wait3A_167 : memref<1x16384xf32, #tpu.memory_space<vmem>> -> memref<16384xf32, #tpu.memory_space<vmem>>
      %dma_wait3A_169 = arith.constant 0 : i32
      %dma_wait3A_170 = tpu.memref_slice %arg3[%dma_wait3A_169] : memref<1048576xf32, #tpu.memory_space<hbm>> -> memref<16384xf32, #tpu.memory_space<hbm>>
      %dma_wait3A_171 = arith.constant 0 : i32
      %dma_wait3A_172 = tpu.memref_slice %arg6[%dma_wait3A_165, %dma_wait3A_171] : memref<2x16384xf32, #tpu.memory_space<vmem>> -> memref<1x16384xf32, #tpu.memory_space<vmem>>
      %dma_wait3A_173 = tpu.memref_squeeze %dma_wait3A_172 : memref<1x16384xf32, #tpu.memory_space<vmem>> -> memref<16384xf32, #tpu.memory_space<vmem>>
      %dma_wait3A_174 = arith.constant 0 : i32
      %dma_wait3A_175 = tpu.memref_slice %arg3[%dma_wait3A_174] : memref<1048576xf32, #tpu.memory_space<hbm>> -> memref<16384xf32, #tpu.memory_space<hbm>>
      tpu.wait_dma2 semaphore(%arg9 : memref<!tpu.dma_semaphore, #tpu.memory_space<semaphore_mem>>) src(%dma_wait3A_175 : memref<16384xf32, #tpu.memory_space<hbm>>) dst(%dma_wait3A_173 : memref<16384xf32, #tpu.memory_space<vmem>>)
      %parallel_loop3A_176 = arith.constant 0 : i32
      %parallel_loop3A_177 = arith.constant 1024 : i32
      %parallel_loop3A_178 = arith.constant 1 : i32
      scf.for %parallel_loop3A_186 = %parallel_loop3A_176 to %parallel_loop3A_177 step %parallel_loop3A_178  : i32 {
        %parallel_loop3A_187 = arith.constant 16 : i32
        %parallel_loop3A_188 = arith.muli %parallel_loop3A_186, %parallel_loop3A_187 : i32
        %parallel_loop3A_189 = arith.constant 1 : i32
        %parallel_loop3A_190 = arith.index_cast %parallel_loop3A_189 : i32 to index
        %parallel_loop3A_191 = arith.index_cast %parallel_loop3A_188 : i32 to index
        %parallel_loop3A_192 = tpu.vector_load %arg5[%parallel_loop3A_190, %parallel_loop3A_191] {strides = array<i32>} : memref<2x16384xf32, #tpu.memory_space<vmem>>, vector<16xf32>,
        %parallel_loop3A_193 = arith.constant 1 : i32
        %parallel_loop3A_194 = arith.index_cast %parallel_loop3A_193 : i32 to index
        %parallel_loop3A_195 = arith.index_cast %parallel_loop3A_188 : i32 to index
        %parallel_loop3A_196 = tpu.vector_load %arg6[%parallel_loop3A_194, %parallel_loop3A_195] {strides = array<i32>} : memref<2x16384xf32, #tpu.memory_space<vmem>>, vector<16xf32>,
        %parallel_loop3A_197 = arith.constant 0.000000e+00 : f32
        %parallel_loop3A_198 = vector.broadcast %parallel_loop3A_197 : f32 to vector<16xf32>
        %parallel_loop3A_199 = arith.subf %parallel_loop3A_192, %parallel_loop3A_198 : vector<16xf32>
        %parallel_loop3A_200 = arith.constant 1.00392163 : f32
        %parallel_loop3A_201 = vector.broadcast %parallel_loop3A_200 : f32 to vector<16xf32>
        %parallel_loop3A_202 = arith.mulf %parallel_loop3A_199, %parallel_loop3A_201 : vector<16xf32>
        %parallel_loop3A_203 = arith.fptosi %parallel_loop3A_202 : vector<16xf32> to vector<16xi32>
        %parallel_loop3A_204 = arith.constant 0 : i32
        %parallel_loop3A_205 = arith.constant 255 : i32
        %parallel_loop3A_206 = vector.broadcast %parallel_loop3A_204 : i32 to vector<16xi32>
        %parallel_loop3A_207 = arith.maxsi %parallel_loop3A_206, %parallel_loop3A_203 : vector<16xi32>
        %parallel_loop3A_208 = vector.broadcast %parallel_loop3A_205 : i32 to vector<16xi32>
        %parallel_loop3A_209 = arith.minsi %parallel_loop3A_208, %parallel_loop3A_207 : vector<16xi32>
        %parallel_loop3A_210 = arith.constant 0.000000e+00 : f32
        %parallel_loop3A_211 = vector.broadcast %parallel_loop3A_210 : f32 to vector<16xf32>
        %parallel_loop3A_212 = arith.cmpf oge, %parallel_loop3A_192, %parallel_loop3A_211 : vector<16xf32>
        %parallel_loop3A_213 = arith.constant 2.550000e+02 : f32
        %parallel_loop3A_214 = vector.broadcast %parallel_loop3A_213 : f32 to vector<16xf32>
        %parallel_loop3A_215 = arith.cmpf ole, %parallel_loop3A_192, %parallel_loop3A_214 : vector<16xf32>
        %parallel_loop3A_216 = arith.andi %parallel_loop3A_212, %parallel_loop3A_215 : vector<16xi1>
        %parallel_loop3A_217 = arith.constant 0.000000e+00 : f32
        %parallel_loop3A_218 = vector.broadcast %parallel_loop3A_217 : f32 to vector<16xf32>
        %parallel_loop3A_219 = arith.select %parallel_loop3A_216, %parallel_loop3A_196, %parallel_loop3A_218 : vector<16xi1>, vector<16xf32>
        tpu.vector_store_idx %arg7[%parallel_loop3A_209], %parallel_loop3A_219 {add = true} : memref<256xf32, #tpu.memory_space<vmem>>[vector<16xi32>], vector<16xf32>,
      } {sc.loop_unroll_factor = 8 : i64, sc.parallel_access}
      %add3A_179 = arith.constant 2 : i32
      %add3A_180 = arith.addi %add3A_151, %add3A_179 : i32
      %lt3A_181 = arith.constant 64 : i32
      %lt3A_182 = arith.cmpi slt, %add3A_180, %lt3A_181 : i32
      %convert_element_type3A_183 = arith.extui %lt3A_182 : i1 to i32
      %cond3A_184 = arith.constant 0 : i32
      %cond3A_185 = arith.cmpi ne, %convert_element_type3A_183, %cond3A_184 : i32
      scf.if %cond3A_185 {
        %add3A_186 = arith.constant 2 : i32
        %add3A_187 = arith.addi %add3A_151, %add3A_186 : i32
        %mul3A_188 = arith.constant 16384 : i32
        %mul3A_189 = arith.muli %add3A_187, %mul3A_188 : i32
        %dma_start3A_190 = arith.constant 1 : i32
        %dma_start3A_191 = arith.constant 0 : i32
        %dma_start3A_192 = tpu.memref_slice %arg5[%dma_start3A_190, %dma_start3A_191] : memref<2x16384xf32, #tpu.memory_space<vmem>> -> memref<1x16384xf32, #tpu.memory_space<vmem>>
        %dma_start3A_193 = tpu.memref_squeeze %dma_start3A_192 : memref<1x16384xf32, #tpu.memory_space<vmem>> -> memref<16384xf32, #tpu.memory_space<vmem>>
        %dma_start3A_194 = tpu.memref_slice %arg2[%add3A, %mul3A_189] : memref<32x1048576xf32, #tpu.memory_space<hbm>> -> memref<1x16384xf32, #tpu.memory_space<hbm>>
        %dma_start3A_195 = tpu.memref_squeeze %dma_start3A_194 : memref<1x16384xf32, #tpu.memory_space<hbm>> -> memref<16384xf32, #tpu.memory_space<hbm>>
        %dma_start3A_196 = arith.constant 0 : i32
        %dma_start3A_197 = tpu.memref_slice %arg5[%dma_start3A_190, %dma_start3A_196] : memref<2x16384xf32, #tpu.memory_space<vmem>> -> memref<1x16384xf32, #tpu.memory_space<vmem>>
        %dma_start3A_198 = tpu.memref_squeeze %dma_start3A_197 : memref<1x16384xf32, #tpu.memory_space<vmem>> -> memref<16384xf32, #tpu.memory_space<vmem>>
        %dma_start3A_199 = tpu.memref_slice %arg2[%add3A, %mul3A_189] : memref<32x1048576xf32, #tpu.memory_space<hbm>> -> memref<1x16384xf32, #tpu.memory_space<hbm>>
        %dma_start3A_200 = tpu.memref_squeeze %dma_start3A_199 : memref<1x16384xf32, #tpu.memory_space<hbm>> -> memref<16384xf32, #tpu.memory_space<hbm>>
        tpu.enqueue_dma source(%dma_start3A_200 : memref<16384xf32, #tpu.memory_space<hbm>>) target(%dma_start3A_198 : memref<16384xf32, #tpu.memory_space<vmem>>) target_semaphore(%arg8 : memref<!tpu.dma_semaphore, #tpu.memory_space<semaphore_mem>>)
        %mul3A_201 = arith.constant 16384 : i32
        %mul3A_202 = arith.muli %add3A_187, %mul3A_201 : i32
        %dma_start3A_203 = arith.constant 1 : i32
        %dma_start3A_204 = arith.constant 0 : i32
        %dma_start3A_205 = tpu.memref_slice %arg6[%dma_start3A_203, %dma_start3A_204] : memref<2x16384xf32, #tpu.memory_space<vmem>> -> memref<1x16384xf32, #tpu.memory_space<vmem>>
        %dma_start3A_206 = tpu.memref_squeeze %dma_start3A_205 : memref<1x16384xf32, #tpu.memory_space<vmem>> -> memref<16384xf32, #tpu.memory_space<vmem>>
        %dma_start3A_207 = tpu.memref_slice %arg3[%mul3A_202] : memref<1048576xf32, #tpu.memory_space<hbm>> -> memref<16384xf32, #tpu.memory_space<hbm>>
        %dma_start3A_208 = arith.constant 0 : i32
        %dma_start3A_209 = tpu.memref_slice %arg6[%dma_start3A_203, %dma_start3A_208] : memref<2x16384xf32, #tpu.memory_space<vmem>> -> memref<1x16384xf32, #tpu.memory_space<vmem>>
        %dma_start3A_210 = tpu.memref_squeeze %dma_start3A_209 : memref<1x16384xf32, #tpu.memory_space<vmem>> -> memref<16384xf32, #tpu.memory_space<vmem>>
        %dma_start3A_211 = tpu.memref_slice %arg3[%mul3A_202] : memref<1048576xf32, #tpu.memory_space<hbm>> -> memref<16384xf32, #tpu.memory_space<hbm>>
        tpu.enqueue_dma source(%dma_start3A_211 : memref<16384xf32, #tpu.memory_space<hbm>>) target(%dma_start3A_210 : memref<16384xf32, #tpu.memory_space<vmem>>) target_semaphore(%arg9 : memref<!tpu.dma_semaphore, #tpu.memory_space<semaphore_mem>>)
      } else {
      }
    }
    %scan3A_113 = arith.constant 32 : i32
    "tpu.region"() ({
      %run_scoped3A = tpu.sem_alloc : memref<!tpu.dma_semaphore, #tpu.memory_space<semaphore_mem>>
      %dma_start3A_114 = arith.constant 0 : i32
      %dma_start3A_115 = tpu.memref_slice %arg4[%add3A, %dma_start3A_114] : memref<32x256xf32, #tpu.memory_space<hbm>> -> memref<1x256xf32, #tpu.memory_space<hbm>>
      %dma_start3A_116 = tpu.memref_squeeze %dma_start3A_115 : memref<1x256xf32, #tpu.memory_space<hbm>> -> memref<256xf32, #tpu.memory_space<hbm>>
      %dma_start3A_117 = arith.constant 0 : i32
      %dma_start3A_118 = tpu.memref_slice %arg4[%add3A, %dma_start3A_117] : memref<32x256xf32, #tpu.memory_space<hbm>> -> memref<1x256xf32, #tpu.memory_space<hbm>>
      %dma_start3A_119 = tpu.memref_squeeze %dma_start3A_118 : memref<1x256xf32, #tpu.memory_space<hbm>> -> memref<256xf32, #tpu.memory_space<hbm>>
      tpu.enqueue_dma source(%arg7 : memref<256xf32, #tpu.memory_space<vmem>>) target(%dma_start3A_119 : memref<256xf32, #tpu.memory_space<hbm>>) target_semaphore(%run_scoped3A : memref<!tpu.dma_semaphore, #tpu.memory_space<semaphore_mem>>)
      %dma_wait3A = arith.constant 0 : i32
      %dma_wait3A_120 = tpu.memref_slice %arg4[%add3A, %dma_wait3A] : memref<32x256xf32, #tpu.memory_space<hbm>> -> memref<1x256xf32, #tpu.memory_space<hbm>>
      %dma_wait3A_121 = tpu.memref_squeeze %dma_wait3A_120 : memref<1x256xf32, #tpu.memory_space<hbm>> -> memref<256xf32, #tpu.memory_space<hbm>>
      %dma_wait3A_122 = arith.constant 0 : i32
      %dma_wait3A_123 = tpu.memref_slice %arg4[%add3A, %dma_wait3A_122] : memref<32x256xf32, #tpu.memory_space<hbm>> -> memref<1x256xf32, #tpu.memory_space<hbm>>
      %dma_wait3A_124 = tpu.memref_squeeze %dma_wait3A_123 : memref<1x256xf32, #tpu.memory_space<hbm>> -> memref<256xf32, #tpu.memory_space<hbm>>
      tpu.wait_dma2 semaphore(%run_scoped3A : memref<!tpu.dma_semaphore, #tpu.memory_space<semaphore_mem>>) src(%arg7 : memref<256xf32, #tpu.memory_space<vmem>>) dst(%dma_wait3A_124 : memref<256xf32, #tpu.memory_space<hbm>>)
      tpu.yield
    }) : () -> ()
    return
  }
}

</mosaic_0001>

<sc_bundles>
// kernel: kernel.3.cloned.1.call-start
scs
__scs_entry_jumppad:
0x0: {  	(pc) =	sbr.rel $0x88, $3  }
0x1: {  	(tag) =	ssettag $0x0;
	lr =	simm.s32 $0x1  }
0x2: {  	[smem:$0x3FA0] =	sst lr;
	_ =	strace $0xD0000000  }
0x3: {  	_ = 	snop  }
0x4: {  	_ = 	snop  }
0x5: {  	_ = 	snop  }
0x6: {  	_ = 	snop  }
0x7: {  	_ = 	snop  }
__scs_overlays_trampoline_lowered:
0x8: {  	[smem:$0x3FAF] =	sst s0  }
0x9: {  	[smem:$0x3FB0] =	sst s1  }
0xa: {  	[smem:$0x3FB1] =	sst s2  }
0xb: {  	[smem:$0x3FB2] =	sst s3  }
0xc: {  	[smem:$0x3FB3] =	sst s4  }
0xd: {  	[smem:$0x3FB4] =	sst s5  }
0xe: {  	[smem:$0x3FB5] =	sst s6  }
0xf: {  	[smem:$0x3FB6] =	sst s7  }
0x10: {  	[smem:$0x3FB7] =	sst s8  }
0x11: {  	[smem:$0x3FB8] =	sst s9;
	s0 =	simm.s32 @!p0 $0x0  }
0x12: {  	s1 =	sld [smem:$0x3F9E];
	s0 =	simm.s32 @p0 $0x1  }
0x13: {  	[smem:$0x3FB9] =	sst s0;
	s0 =	simm.s32 @!p1 $0x0  }
0x14: {  	s2 =	sld [smem:$0x3F9D];
	s0 =	simm.s32 @p1 $0x1  }
0x15: {  	[smem:$0x3FBA] =	sst s0;
	s0 =	simm.s32 @!p2 $0x0  }
0x16: {  	s3 =	sld [smem:$0x3FDB];
	s0 =	simm.s32 @p2 $0x1  }
0x17: {  	s4 =	simm.s32 $0x1BF5;
	[smem:$0x3FBC] =	sst s0  }
0x18: {  	s0 =	sld [smem:$0x3F9F];
	_ =	swait.ge [sflag:s4], $0x0  }
0x19: {  	s7 =	sld [smem:$0x3FA0]  }
0x1a: {  	s8 =	sadd.s32 $0xFFFFE003, lr  }
0x1b: {  	s9 =	sadd.s32 $0xFFFFFEF7, lr;
	s5 =	simm.s32 $0xFFFFFFFF;
	p2 =	slt.u32 s8, $0xFFFFF086  }
0x1c: {  	p1 =	slt.u32 s9, $0xF7A;
	s5 =	simm.s32 @!p2 $0x0  }
0x1d: {  	s5 =	simm.s32 @p1 $0x1;
	p0 =	seq.s32 s7, s2  }
0x1e: {  	s7 =	smul.u32 @!p0 $0xF7A, s2;
	p2 =	seq.s32 @!p0 s5, $0x0  }
0x1f: {  	s9 =	smul.u32 $0xF7A, s1;
	s8 =	simm.s32 @!p0 $0x1BF5;
	p2 =	por !p2, p0  }
0x20: {  	[sflag:s8] =	ssyncset.s32 @!p0 $0xFFFFF086;
	s6 =	sadd.s32 @!p0 s3, s7;
	s7 =	simm.s32 @!p0 $0x108  }
0x21: {  	s3 =	sadd.s32 s3, s9;
	s6 =	sadd.s32 @!p0 $0x88, s6;
	s7 =	simm.s32 @p2 $0x1082  }
0x22: {  	[simem:s7], [sflag:s8] =	dma.local @!p0 [hbm:s6], $0xF7A  }
0x23: {  	s9 =	sor.u32 $0xD0000000, s2;
	s6 =	simm.s32 $0x108;
	_ =	swait.ge @!p0 [sflag:s8], $0x0  }
0x24: {  	s3 =	sadd.s32 $0x88, s3;
	s6 =	simm.s32 @!p1 $0x1082;
	[sflag:s4] =	ssyncset.s32 $0xFFFFF086  }
0x25: {  	[simem:s6], [sflag:s4] =	dma.local [hbm:s3], $0xF7A  }
0x26: {  	[smem:$0x3FA0] =	sst s1;
	(tag) =	ssettag s2;
	_ =	strace s9  }
0x27: {  	s1 =	sld [smem:$0x3FB0]  }
0x28: {  	s2 =	sld [smem:$0x3FB1]  }
0x29: {  	s4 =	sld [smem:$0x3FB3]  }
0x2a: {  	p0 =	seq.s32 s5, $0x0;
	s5 =	sld [smem:$0x3FB4]  }
0x2b: {  	s6 =	sld [smem:$0x3FB5]  }
0x2c: {  	s7 =	sld [smem:$0x3FB6]  }
0x2d: {  	s3 =	simm.s32 $0x108;
	s8 =	sld [smem:$0x3FB7]  }
0x2e: {  	s3 =	simm.s32 @!p0 $0x1082;
	s9 =	sld [smem:$0x3FB8]  }
0x2f: {  	lr =	sadd.s32 s0, s3;
	s0 =	sld [smem:$0x3FAF]  }
0x30: {  	s3 =	sld [smem:$0x3FB2]  }
0x31: {  	[smem:$0x3FBB] =	sst s10  }
0x32: {  	s10 =	sld [smem:$0x3FB9];
	_ =	sdelay $0x3  }
0x33: {  	p0 =	seq.s32 s10, $0x1;
	s10 =	sld [smem:$0x3FBB];
	_ =	sdelay $0x3  }
0x34: {  	[smem:$0x3FBB] =	sst s10  }
0x35: {  	s10 =	sld [smem:$0x3FBA];
	_ =	sdelay $0x3  }
0x36: {  	p1 =	seq.s32 s10, $0x1;
	s10 =	sld [smem:$0x3FBB];
	_ =	sdelay $0x3  }
0x37: {  	[smem:$0x3FBB] =	sst s10  }
0x38: {  	s10 =	sld [smem:$0x3FBC]  }
0x39: {  	_ = 	snop;
	(pc) =	sbr.ind lr, $3  }
0x3a: {  	_ = 	snop  }
0x3b: {  	_ = 	snop  }
0x3c: {  	p2 =	seq.s32 s10, $0x1;
	s10 =	sld [smem:$0x3FBB]  }
0x3d: {  	_ =	shalt  }
0x3e: {  	_ =	shalt  }
0x3f: {  	_ =	shalt  }
0x40: {  	_ =	shalt  }
0x41: {  	_ =	shalt  }
0x42: {  	_ =	shalt  }
0x43: {  	_ =	shalt  }
0x44: {  	_ =	shalt  }
0x45: {  	_ =	shalt  }
0x46: {  	_ =	shalt  }
0x47: {  	_ =	shalt  }
0x48: {  	_ =	shalt  }
0x49: {  	_ =	shalt  }
0x4a: {  	_ =	shalt  }
0x4b: {  	_ =	shalt  }
0x4c: {  	_ =	shalt  }
0x4d: {  	_ =	shalt  }
0x4e: {  	_ =	shalt  }
0x4f: {  	_ =	shalt  }
0x50: {  	_ =	shalt  }
0x51: {  	_ =	shalt  }
0x52: {  	_ =	shalt  }
0x53: {  	_ =	shalt  }
0x54: {  	_ =	shalt  }
0x55: {  	_ =	shalt  }
0x56: {  	_ =	shalt  }
0x57: {  	_ =	shalt  }
0x58: {  	_ =	shalt  }
0x59: {  	_ =	shalt  }
0x5a: {  	_ =	shalt  }
0x5b: {  	_ =	shalt  }
0x5c: {  	_ =	shalt  }
0x5d: {  	_ =	shalt  }
0x5e: {  	_ =	shalt  }
0x5f: {  	_ =	shalt  }
0x60: {  	_ =	shalt  }
0x61: {  	_ =	shalt  }
0x62: {  	_ =	shalt  }
0x63: {  	_ =	shalt  }
0x64: {  	_ =	shalt  }
0x65: {  	_ =	shalt  }
0x66: {  	_ =	shalt  }
0x67: {  	_ =	shalt  }
0x68: {  	_ =	shalt  }
0x69: {  	_ =	shalt  }
0x6a: {  	_ =	shalt  }
0x6b: {  	_ =	shalt  }
0x6c: {  	_ =	shalt  }
0x6d: {  	_ =	shalt  }
0x6e: {  	_ =	shalt  }
0x6f: {  	_ =	shalt  }
0x70: {  	_ =	shalt  }
0x71: {  	_ =	shalt  }
0x72: {  	_ =	shalt  }
0x73: {  	_ =	shalt  }
0x74: {  	_ =	shalt  }
0x75: {  	_ =	shalt  }
0x76: {  	_ =	shalt  }
0x77: {  	_ =	shalt  }
0x78: {  	_ =	shalt  }
0x79: {  	_ =	shalt  }
0x7a: {  	_ =	shalt  }
0x7b: {  	_ =	shalt  }
0x7c: {  	_ =	shalt  }
0x7d: {  	_ =	shalt  }
0x7e: {  	_ =	shalt  }
0x7f: {  	_ =	shalt  }
0x80: {  	_ =	shalt  }
0x81: {  	_ =	shalt  }
0x82: {  	_ =	shalt  }
0x83: {  	_ =	shalt  }
0x84: {  	_ =	shalt  }
0x85: {  	_ =	shalt  }
0x86: {  	_ =	shalt  }
0x87: {  	_ =	shalt  }
.Lfunc_end0:
.L_simem_size_0:
called_computation.1_lowered:
.L_overlay_start_0:
0x88: {  	s2 =	sld [smem:$0x3FD9]  }
0x89: {  	s3 =	sld [smem:$0x3FFE];
	_ =	sdelay $0x1  }
0x8a: {  	s1 =	srdreg.scid  }
0x8b: {  	s0 =	sand.u32 $0x1, s1  }
0x8c: {  	s16 =	sshll.u32 s0, $0xA;
	s2 =	sadd.s32 s3, s2  }
0x8d: {  	s2 =	sadd.s32 s2, s16  }
0x8e: {  	[smem:$0x3FC7] =	sst s2  }
0x8f: {  	_ = 	snop  }
0x90: {  	(tm) =	ssettm $0x1  }
0x91: {  	s17 =	sld [smem:$0x3FFB];
	_ =	sdelay $0x3  }
0x92: {  	_ =	strace s17  }
0x93: {  	s2 =	sld [smem:$0x3FFC];
	_ =	sdelay $0x3  }
0x94: {  	_ =	strace s2  }
0x95: {  	s2 =	sld [smem:$0x3FFD];
	_ =	sdelay $0x3  }
0x96: {  	_ =	strace s2  }
0x97: {  	_ =	strace $0x8FFFFFFF  }
0x98: {  	s18 =	sld [smem:$0x3FDB];
	_ =	sdelay $0x1  }
0x99: {  	s19 =	simm.s32 $_scs_section_size  }
0x9a: {  	s4 =	simm.s32 $_size__tile_overlayer_lowered;
	s5 =	simm.s32 $_tile_overlayer_lowered  }
0x9b: {  	s22 =	simm.s32 $0x1BFF;
	s21 =	sshll.u32 s5, $0x1;
	s2 =	sadd.s32 s19, s18  }
0x9c: {  	s6 =	simm.s32 $0x0;
	s20 =	sshll.u32 s4, $0x1;
	s4 =	sadd.s32 s21, s2  }
0x9d: {  	[timem:s6], [sflag:s22] =	dma.local [hbm:s4], s20  }
0x9e: {  	_ =	swait.ge [sflag:s22], s20  }
0x9f: {  	s3 =	ssub.s32 $0x0, s20;
	[sflag:s22] =	ssyncset.done $0x0  }
0xa0: {  	[sflag:s22] =	ssyncadd.s32 s3;
	_ =	sdelay $0x1  }
0xa1: {  	s23 =	simm.s32 $0x1B8B  }
0xa2: {  	_ =	swait.ge [sflag:s23], $0x1  }
0xa3: {  	[sflag:s23] =	ssyncset.done $0x0  }
0xa4: {  	s25 =	simm.s32 $0x1B8E;
	s24 =	sld [smem:$0x3FFE];
	[sflag:s23] =	ssyncadd.s32 $0xFFFFFFFF  }
0xa5: {  	s26 =	simm.s32 $execute0_lowered;
	[smem:$0x3FD2] =	sst s25  }
0xa6: {  	s4 =	sshll.u32 s26, $0x1;
	_ =	strace $0x80000049;
	[dreg:$0x1] =	wrdreg $0xFFFFFFFF  }
0xa7: {  	s28 =	simm.s32 $_size_execute0_lowered;
	s2 =	sadd.s32 s2, s4;
	[dreg:$0x0] =	wrdreg $0x0  }
0xa8: {  	s4 =	sshll.u32 s28, $0x1;
	[dreg:$0x2] =	wrdreg s2  }
0xa9: {  	[dreg:$0x3] =	wrdreg s4  }
0xaa: {  	[dreg:$0x4] =	wrdreg $0xC0  }
0xab: {  	_ =	task [dreg:s6], $0x5FFFF  }
0xac: {  	[dreg:$0x1] =	wrdreg $0xFFFFFFFF  }
0xad: {  	[dreg:$0x0] =	wrdreg $0x60  }
0xae: {  	[dreg:$0x2] =	wrdreg s24  }
0xaf: {  	[dreg:$0x3] =	wrdreg $0x9  }
0xb0: {  	_ =	task.clear_ibuf [dreg:s6], $0x4FFFF;
	_ =	strace $0x90000049  }
0xb1: {  	s29 =	simm.s32 $0x9;
	_ =	strace $0x8000004B  }
0xb2: {  	_ =	swait.ge [sflag:s29], $0x1  }
0xb3: {  	[sflag:s29] =	ssyncadd.s32 $0xFFFFFFFF  }
0xb4: {  	_ =	strace $0x9000004B  }
0xb5: {  	_ =	sfence  }
0xb6: {  	s30 =	sld [smem:$0x0];
	_ =	sdelay $0x2  }
0xb7: {  	s31 =	sshll.u32 s1, $0xD;
	s1 =	sshrl.u32 s1, $0x2  }
0xb8: {  	s3 =	sand.u32 $0x4000, s31;
	s1 =	sadd.s32 s1, s30  }
0xb9: {  	s0 =	sor.u32 s3, s0;
	s1 =	sshll.u32 s1, $0x11  }
0xba: {  	s0 =	sor.u32 s1, s0  }
0xbb: {  	s0 =	sadd.s32 $0x8F2B, s0  }
0xbc: {  	[sflag:s0] =	ssyncadd.remote.s32 $0x1  }
0xbd: {  	_ =	sfence.sel $0xFFFF  }
0xbe: {  	[dreg:$0x0] =	wrdreg $0xFFFFFFFF;
	(pc) =	sbr.abs _section_cstart, $3  }
0xbf: {  	[dreg:$0x1] =	wrdreg $0xFFFFFFFF  }
0xc0: {  	_ =	task.clear_ibuf [dreg:s6], $0x2FFFF;
	_ =	strace $0x9FFFFFFF  }
0xc1: {  	(tm) =	ssettm $0x7FFFFFFF  }
tec
execute0_lowered:
.L_overlay_start_1:
0x0: {  	(tag) =	ssettag $0x1  }
0x1: {  	s8 =	rddreg [dreg:$0x0]  }
0x2: {  	s0 =	rddreg [dreg:$0x1]  }
0x3: {  	s2 =	simm.s32 $0x0;
	s4 =	srdreg.scid;
	s1 =	stileid.u32  }
0x4: {  	s12 =	simm.s32 $0x2;
	s13 =	simm.s32 $0x10000;
	s14 =	simm.s32 $0x80  }
0x5: {  	s15 =	simm.s32 $0x400;
	s16 =	simm.s32 $0x3;
	s17 =	simm.s32 $0x0  }
0x6: {  	[smem:$0x7FF] =	sst s2;
	s3 =	sadd.s32 $0x800, s8;
	s6 =	sand.u32 $0x1, s4  }
0x7: {  	s26 =	sshll.u32 s1, $0x8;
	s5 =	sshrl.u32 s1, $0x2;
	_ =	strace $0x8000004A  }
0x8: {  	s7 =	sshll.u32 s6, $0x7;
	s4 =	sand.u32 $0x300, s26;
	s9 =	sshll.u32 s5, $0xB  }
0x9: {  	s5 =	sshll.u32 s5, $0x17;
	s29 =	ssub.s32 $0x2, s6;
	s7 =	sor.u32 s7, s4  }
.Ltmp0:
0xa: {  	s4 =	sadd.s32 $0x400800, s8;
	s5 =	sor.u32 s5, s7;
	(pc) =	sbr.rel .LBB2_1-.Ltmp0, $4  }
0xb: {  	s31 =	sshrl.u32 s29, $0x1;
	s9 =	sor.u32 s9, s7;
	s30 =	sshrl.u32 s5, $0x3  }
0xc: {  	s11 =	ssub.s32 s29, s31;
	s28 =	sshrl.u32 s9, $0x3;
	s6 =	sadd.s32 s3, s30  }
0xd: {  	s10 =	sadd.s32 s28, s8;
	s8 =	sadd.s32 $0x401000, s8;
	s7 =	sadd.s32 $0x4000, s6  }
0xe: {  	v0 =	vimm.f32 $0.0e+00;
	s9 =	sadd.s32 $0x420800, s10;
	s10 =	smax.u32 s11, $0x1;
	s11 =	simm.s32 $0x1  }
.LBB2_26:
0xf: {  	s17 =	sadd.s32 $0x1, s17  }
0x10: {  	p0 =	sne.s32 s17, s10  }
.Ltmp1:
0x11: {  	_ = 	snop;
	(pc) =	sbr.rel @!p0 .LBB2_27-.Ltmp1, $4  }
0x12: {  	[hbm4b:s9+s14] =	stream.strided.scatter [tilespmem:s13], [sflag:$0x3], $0x100, s15, s14, $0x38;
	[tilespmem:$0x10100] =	vst v63  }
0x13: {  	_ =	swait.ge [sflag:s16], $0x100  }
0x14: {  	[sflag:s16] =	ssyncset.done $0x0  }
0x15: {  	[sflag:s16] =	ssyncadd.s32 $0xFFFFFF00  }
.LBB2_1:
0x16: {  	[tilespmem:$0x10000] =	vst v0  }
0x17: {  	[tilespmem:$0x10010] =	vst v0  }
0x18: {  	[tilespmem:$0x10020] =	vst v0  }
0x19: {  	[tilespmem:$0x10030] =	vst v0  }
0x1a: {  	[tilespmem:$0x10040] =	vst v0  }
0x1b: {  	[tilespmem:$0x10050] =	vst v0  }
0x1c: {  	[tilespmem:$0x10060] =	vst v0  }
0x1d: {  	[tilespmem:$0x10070] =	vst v0  }
0x1e: {  	[tilespmem:$0x10080] =	vst v0  }
0x1f: {  	[tilespmem:$0x10090] =	vst v0  }
0x20: {  	[tilespmem:$0x100A0] =	vst v0  }
0x21: {  	[tilespmem:$0x100B0] =	vst v0  }
0x22: {  	[tilespmem:$0x100C0] =	vst v0  }
0x23: {  	[tilespmem:$0x100D0] =	vst v0  }
0x24: {  	[tilespmem:$0x100E0] =	vst v0  }
0x25: {  	[tilespmem:$0x100F0] =	vst v0;
	s18 =	simm.s32 $0x0;
	s19 =	simm.s32 $0x0  }
.LBB2_2:
0x26: {  	p0 =	sne.s32 s19, $0x3F80  }
.Ltmp2:
0x27: {  	_ = 	snop;
	(pc) =	sbr.rel @p0 .LBB2_2-.Ltmp2, $4  }
0x28: {  	_ = 	snop  }
0x29: {  	s20 =	sadd.s32 s19, s6;
	s21 =	simm.s32 $0x0  }
0x2a: {  	[tilespmem:s18], [sflag:$0x1] =	stream.linear.gather [hbm4b:s20+s21], $0x80, $0x38;
	[tilespmem:$0x10100] =	vst v63  }
0x2b: {  	s19 =	sadd.s32 $0x80, s19;
	s18 =	sadd.s32 $0x100, s18  }
0x2c: {  	s18 =	simm.s32 $0x8000  }
0x2d: {  	s19 =	simm.s32 $0x10;
	s21 =	sadd.s32 $0x0, s4;
	s20 =	simm.s32 $0x8100  }
.LBB2_4:
0x2e: {  	[tilespmem:s18], [sflag:$0x2] =	stream.linear.gather [hbm4b:s21+s2], $0x80, $0x38;
	[tilespmem:$0x10100] =	vst v63  }
0x2f: {  	s21 =	smov.u32 s19;
	s18 =	smov.u32 s20;
	p0 =	sne.s32 s19, $0x7F0  }
.Ltmp3:
0x30: {  	s19 =	sadd.s32 $0x10, s19;
	(pc) =	sbr.rel @p0 .LBB2_4-.Ltmp3, $2  }
0x31: {  	_ =	sdelay $0x2  }
0x32: {  	s20 =	sadd.s32 $0x100, s20;
	s21 =	sadd.s32 s21, s4  }
0x33: {  	[tilespmem:s18], [sflag:$0x2] =	stream.linear.gather [hbm4b:s21+s2], $0x80, $0x38;
	[tilespmem:$0x10100] =	vst v63  }
0x34: {  	s18 =	simm.s32 $0x80  }
0x35: {  	s19 =	simm.s32 $0x80;
	s21 =	sadd.s32 $0x0, s7;
	s20 =	simm.s32 $0x180  }
.LBB2_6:
0x36: {  	[tilespmem:s18], [sflag:$0x1] =	stream.linear.gather [hbm4b:s21+s2], $0x80, $0x38;
	[tilespmem:$0x10100] =	vst v63  }
0x37: {  	s21 =	smov.u32 s19;
	s18 =	smov.u32 s20;
	p0 =	sne.s32 s19, $0x3F80  }
.Ltmp4:
0x38: {  	s19 =	sadd.s32 $0x80, s19;
	(pc) =	sbr.rel @p0 .LBB2_6-.Ltmp4, $2  }
0x39: {  	_ =	sdelay $0x2  }
0x3a: {  	s20 =	sadd.s32 $0x100, s20;
	s21 =	sadd.s32 s21, s7  }
0x3b: {  	[tilespmem:s18], [sflag:$0x1] =	stream.linear.gather [hbm4b:s21+s2], $0x80, $0x38;
	[tilespmem:$0x10100] =	vst v63  }
0x3c: {  	s18 =	simm.s32 $0x0;
	s19 =	simm.s32 $0x8080  }
0x3d: {  	s20 =	simm.s32 $0x10;
	s22 =	sadd.s32 $0x0, s8;
	s21 =	simm.s32 $0x8180  }
.LBB2_8:
0x3e: {  	[tilespmem:s19], [sflag:$0x2] =	stream.linear.gather [hbm4b:s22+s18], $0x80, $0x38;
	[tilespmem:$0x10100] =	vst v63  }
0x3f: {  	s22 =	smov.u32 s20;
	s19 =	smov.u32 s21;
	p0 =	sne.s32 s20, $0x7F0  }
.Ltmp5:
0x40: {  	s20 =	sadd.s32 $0x10, s20;
	(pc) =	sbr.rel @p0 .LBB2_8-.Ltmp5, $2  }
0x41: {  	_ =	sdelay $0x2  }
0x42: {  	s21 =	sadd.s32 $0x100, s21;
	s22 =	sadd.s32 s22, s8  }
0x43: {  	[tilespmem:s19], [sflag:$0x2] =	stream.linear.gather [hbm4b:s22+s18], $0x80, $0x38;
	[tilespmem:$0x10100] =	vst v63  }
.LBB2_10:
0x44: {  	_ =	swait.ge [sflag:s11], $0x4000  }
0x45: {  	[sflag:s11] =	ssyncset.done $0x0  }
0x46: {  	[sflag:s11] =	ssyncadd.s32 $0xFFFFC000  }
0x47: {  	_ =	swait.ge [sflag:s12], $0x4000  }
0x48: {  	[sflag:s12] =	ssyncset.done $0x0  }
0x49: {  	s19 =	simm.s32 $0x40;
	[sflag:s12] =	ssyncadd.s32 $0xFFFFC000  }
0x4a: {  	v1 =	vld [tilespmem:s19+$0x30]  }
0x4b: {  	v2 =	vld [tilespmem:s19+$0xFFFFFFD0]  }
0x4c: {  	v3 =	vld [tilespmem:s19+$0xFFFFFFE0]  }
0x4d: {  	v5 =	vld [tilespmem:s19+$0xFFFFFFF0]  }
0x4e: {  	v6 =	vld [tilespmem:s19+$0x0]  }
0x4f: {  	v7 =	vld [tilespmem:s19+$0x10]  }
0x50: {  	v15 =	vld [tilespmem:s19+$0x20]  }
0x51: {  	v11 =	vld [tilespmem:s19+$0xFFFFFFC0]  }
0x52: {  	v4 =	vmul.f32 $1.003921630e+00, v1;
	v8 =	vmul.f32 $1.003921630e+00, v2  }
0x53: {  	vm1 =	vge.f32 v2, $0.0e+00;
	vm2 =	vle.f32 v2, $2.550000000e+02;
	v2 =	vmul.f32 $1.003921630e+00, v3  }
0x54: {  	vm0 =	vge.f32 v3, $0.0e+00;
	vm3 =	vle.f32 v3, $2.550000000e+02;
	v3 =	vmul.f32 $1.003921630e+00, v5  }
0x55: {  	v9 =	vmul.f32 $1.003921630e+00, v6;
	v10 =	vmul.f32 $1.003921630e+00, v7  }
0x56: {  	s19 =	simm.s32 $0x8040;
	vm4 =	vge.f32 v5, $0.0e+00;
	v12 =	vmul.f32 $1.003921630e+00, v15;
	v14 =	vmul.f32 $1.003921630e+00, v11  }
0x57: {  	v13 =	vld [tilespmem:s19+$0x30];
	vm6 =	vge.f32 v1, $0.0e+00;
	vm7 =	vle.f32 v1, $2.550000000e+02;
	vm9 =	vle.f32 v5, $2.550000000e+02  }
0x58: {  	vm10 =	vge.f32 v6, $0.0e+00;
	vm6 =	vmand vm6, vm7;
	vm1 =	vmand vm1, vm2  }
0x59: {  	vm2 =	vle.f32 v6, $2.550000000e+02;
	vm3 =	vmand vm0, vm3;
	v4 =	vtrunc.f32 v4  }
0x5a: {  	vm0 =	vmand vm4, vm9;
	v8 =	vtrunc.f32 v8;
	v4 =	vcvt.f32.s32 v4  }
0x5b: {  	vm9 =	vle.f32 v15, $2.550000000e+02;
	v2 =	vtrunc.f32 v2;
	v3 =	vtrunc.f32 v3  }
0x5c: {  	v9 =	vtrunc.f32 v9;
	v18 =	vnsel vm6, $0x0, v13;
	vm5 =	vgt.s32 v4, $0x0  }
0x5d: {  	v8 =	vcvt.f32.s32 v8;
	v17 =	vcvt.f32.s32 v3;
	v4 =	vnsel vm5, $0x0, v4  }
0x5e: {  	v13 =	vcvt.f32.s32 v9;
	v16 =	vmin.u32 v4, $0xFF;
	v4 =	vtrunc.f32 v10  }
0x5f: {  	vm2 =	vmand vm10, vm2;
	v10 =	vtrunc.f32 v12;
	v12 =	vtrunc.f32 v14  }
0x60: {  	v1 =	vld [tilespmem:s19+$0xFFFFFFC0];
	vm7 =	vgt.s32 v8, $0x0;
	vm5 =	vge.f32 v11, $0.0e+00;
	v12 =	vcvt.f32.s32 v12  }
0x61: {  	v5 =	vld [tilespmem:s19+$0x0];
	v8 =	vnsel vm7, $0x0, v8;
	vm7 =	vgt.s32 v13, $0x0;
	v14 =	vcvt.f32.s32 v2  }
0x62: {  	v6 =	vld [tilespmem:s19+$0x10];
	v19 =	vcvt.f32.s32 v4;
	v20 =	vcvt.f32.s32 v10;
	vm6 =	vgt.s32 v12, $0x0  }
0x63: {  	v3 =	vld [tilespmem:s19+$0xFFFFFFE0];
	vm8 =	vgt.s32 v14, $0x0;
	v10 =	vnsel vm6, $0x0, v12;
	vm6 =	vgt.s32 v17, $0x0  }
0x64: {  	v2 =	vld [tilespmem:s19+$0xFFFFFFD0];
	v9 =	vnsel vm8, $0x0, v14;
	vm8 =	vgt.s32 v19, $0x0;
	v12 =	vnsel vm6, $0x0, v17  }
0x65: {  	v4 =	vld [tilespmem:s19+$0xFFFFFFF0];
	vm6 =	vle.f32 v11, $2.550000000e+02;
	v11 =	vnsel vm7, $0x0, v13;
	v13 =	vnsel vm8, $0x0, v19  }
0x66: {  	vm7 =	vgt.s32 v20, $0x0;
	[tilespmem:v16+s13+$0x0] =	vst.idx.add.f32.msk $0xffff, v18;
	vm8 =	vge.f32 v15, $0.0e+00;
	vm5 =	vmand vm5, vm6  }
0x67: {  	s20 =	simm.s32 $0x0;
	s21 =	simm.s32 $0x140;
	v14 =	vnsel vm7, $0x0, v20;
	vm6 =	vge.f32 v7, $0.0e+00;
	vm7 =	vle.f32 v7, $2.550000000e+02;
	v7 =	vld [tilespmem:s19+$0x20]  }
.LBB2_11:
0x68: {  	v16 =	vld [tilespmem:s21+$0xFFFFFFD0];
	_ =	sdelay $0x2  }
0x69: {  	v17 =	vld [tilespmem:s21+$0xFFFFFFE0]  }
0x6a: {  	v15 =	vld [tilespmem:s21+$0x30];
	vm4 =	vmand vm6, vm7;
	v20 =	vnsel vm0, $0x0, v4  }
0x6b: {  	v18 =	vld [tilespmem:s21+$0xFFFFFFF0];
	v22 =	vnsel vm4, $0x0, v6;
	v6 =	vimm.s32 $0x0;
	vm0 =	vge.f32 v16, $0.0e+00  }
0x6c: {  	vm6 =	vmand vm8, vm9;
	v8 =	vmin.u32 v8, $0xFF;
	v6 =	vsel vm0, $0xFFFFFFFF, v6  }
0x6d: {  	v24 =	vnsel vm6, $0x0, v7;
	vm0 =	vle.f32 v16, $2.550000000e+02;
	[tilespmem:$0x1FFB0] =	vst v6;
	v6 =	vimm.s32 $0x0  }
0x6e: {  	v7 =	vimm.s32 $0x0;
	v6 =	vsel vm0, $0xFFFFFFFF, v6;
	vm0 =	vge.f32 v17, $0.0e+00  }
0x6f: {  	v14 =	vmin.u32 v14, $0xFF;
	v19 =	vld [tilespmem:s21+$0x0];
	v4 =	vmul.f32 $1.003921630e+00, v15;
	v7 =	vsel vm0, $0xFFFFFFFF, v7  }
0x70: {  	v25 =	vld [tilespmem:s21+$0xFFFFFFC0];
	[tilespmem:$0x1FFD0] =	vst v7;
	v7 =	vmul.f32 $1.003921630e+00, v18  }
0x71: {  	v10 =	vmin.u32 v10, $0xFF;
	v61 =	vld [tilespmem:s21+$0x20];
	v2 =	vnsel vm1, $0x0, v2;
	v4 =	vtrunc.f32 v4  }
0x72: {  	s19 =	sadd.s32 $0x100, s19;
	[tilespmem:v8+s13+$0x0] =	vst.idx.add.f32.msk $0xffff, v2;
	v4 =	vcvt.f32.s32 v4;
	v7 =	vtrunc.f32 v7  }
0x73: {  	v29 =	vcvt.f32.s32 v7;
	v7 =	vld [tilespmem:s19+$0x20]  }
0x74: {  	v1 =	vnsel vm5, $0x0, v1;
	vm5 =	vgt.s32 v4, $0x0;
	[tilespmem:v14+s13+$0x0] =	vst.idx.add.f32.msk $0xffff, v24  }
0x75: {  	v9 =	vmin.u32 v9, $0xFF;
	v2 =	vnsel vm5, $0x0, v4;
	v4 =	vmul.f32 $1.003921630e+00, v25;
	v14 =	vld [tilespmem:$0x1FFB0]  }
0x76: {  	v12 =	vmin.u32 v12, $0xFF;
	[tilespmem:v10+s13+$0x0] =	vst.idx.add.f32.msk $0xffff, v1;
	v1 =	vimm.s32 $0x0;
	v10 =	vmul.f32 $1.003921630e+00, v19  }
0x77: {  	vm6 =	vge.f32 v15, $0.0e+00;
	vm7 =	vle.f32 v15, $2.550000000e+02;
	v4 =	vtrunc.f32 v4  }
0x78: {  	v23 =	vld [tilespmem:s21+$0x10];
	v10 =	vtrunc.f32 v10;
	vm0 =	vge.f32 v18, $0.0e+00;
	v15 =	vcvt.f32.s32 v4  }
0x79: {  	[tilespmem:$0x1FFC0] =	vst v6;
	v1 =	vsel vm0, $0xFFFFFFFF, v1;
	vm0 =	vle.f32 v25, $2.550000000e+02;
	vm5 =	vge.f32 v25, $0.0e+00  }
0x7a: {  	vm5 =	vmand vm5, vm0;
	vm1 =	vgt.s32 v15, $0x0;
	vm0 =	vnez.u8 v14;
	v14 =	vld [tilespmem:$0x1FFC0]  }
0x7b: {  	v11 =	vmin.u32 v11, $0xFF;
	v30 =	vcvt.f32.s32 v10;
	v10 =	vnsel vm1, $0x0, v15;
	v15 =	vld [tilespmem:$0x1FFD0]  }
0x7c: {  	v13 =	vmin.u32 v13, $0xFF;
	v3 =	vnsel vm3, $0x0, v3;
	v21 =	vnsel vm2, $0x0, v5  }
0x7d: {  	v5 =	vmul.f32 $1.003921630e+00, v16;
	vm3 =	vle.f32 v17, $2.550000000e+02;
	v8 =	vmul.f32 $1.003921630e+00, v23  }
0x7e: {  	[tilespmem:v9+s13+$0x0] =	vst.idx.add.f32.msk $0xffff, v3;
	v3 =	vmul.f32 $1.003921630e+00, v61;
	vm2 =	vle.f32 v18, $2.550000000e+02;
	vm10 =	vge.f32 v19, $0.0e+00  }
0x7f: {  	v9 =	vld [tilespmem:s19+$0x30];
	vm4 =	vle.f32 v19, $2.550000000e+02;
	vm8 =	vge.f32 v61, $0.0e+00;
	[tilespmem:$0x1FFE0] =	vst v1;
	vm1 =	vnez.u8 v14  }
0x80: {  	v5 =	vtrunc.f32 v5;
	vm1 =	vmand vm0, vm1;
	vm0 =	vnez.u8 v15;
	v15 =	vld [tilespmem:$0x1FFE0]  }
0x81: {  	vm9 =	vle.f32 v61, $2.550000000e+02;
	v8 =	vtrunc.f32 v8;
	v26 =	vtrunc.f32 v3;
	v3 =	vld [tilespmem:s19+$0xFFFFFFE0]  }
0x82: {  	v27 =	vcvt.f32.s32 v5;
	v5 =	vld [tilespmem:s19+$0x0];
	v31 =	vcvt.f32.s32 v8;
	v8 =	vimm.s32 $0x0  }
0x83: {  	vm6 =	vmand vm6, vm7;
	[tilespmem:v11+s13+$0x0] =	vst.idx.add.f32.msk $0xffff, v21;
	v6 =	vmul.f32 $1.003921630e+00, v17;
	v8 =	vsel vm2, $0xFFFFFFFF, v8  }
0x84: {  	vm7 =	vle.f32 v23, $2.550000000e+02;
	v63 =	vcvt.f32.s32 v26;
	[tilespmem:$0x1FFF0] =	vst v8;
	v1 =	vld [tilespmem:s19+$0xFFFFFFC0];
	v62 =	vmin.u32 v2, $0xFF  }
0x85: {  	s20 =	sadd.s32 $0x8, s20;
	v6 =	vtrunc.f32 v6;
	vm3 =	vmand vm0, vm3;
	vm0 =	vnez.u8 v15;
	v15 =	vld [tilespmem:$0x1FFF0]  }
0x86: {  	p0 =	slt.u32 s20, $0x3F8;
	vm11 =	vgt.s32 v27, $0x0;
	vm14 =	vgt.s32 v30, $0x0;
	v2 =	vld [tilespmem:s19+$0xFFFFFFD0];
	v28 =	vcvt.f32.s32 v6  }
.Ltmp6:
0x87: {  	vm15 =	vgt.s32 v31, $0x0;
	vm2 =	vgt.s32 v63, $0x0;
	v8 =	vnsel vm11, $0x0, v27;
	v4 =	vld [tilespmem:s19+$0xFFFFFFF0];
	(pc) =	sbr.rel @p0 .LBB2_11-.Ltmp6, $4  }
0x88: {  	v11 =	vnsel vm14, $0x0, v30;
	v6 =	vnsel vm6, $0x0, v9;
	vm12 =	vgt.s32 v28, $0x0;
	[tilespmem:v12+s13+$0x0] =	vst.idx.add.f32.msk $0xffff, v20  }
0x89: {  	vm6 =	vge.f32 v23, $0.0e+00;
	vm13 =	vgt.s32 v29, $0x0;
	v9 =	vnsel vm12, $0x0, v28;
	[tilespmem:v62+s13+$0x0] =	vst.idx.add.f32.msk $0xffff, v6  }
0x8a: {  	v12 =	vnsel vm13, $0x0, v29;
	v6 =	vld [tilespmem:s19+$0x10];
	v14 =	vnsel vm2, $0x0, v63;
	vm2 =	vnez.u8 v15  }
0x8b: {  	s21 =	sadd.s32 $0x100, s21;
	[tilespmem:v13+s13+$0x0] =	vst.idx.add.f32.msk $0xffff, v22;
	v13 =	vnsel vm15, $0x0, v31;
	vm0 =	vmand vm0, vm2;
	vm2 =	vmand vm10, vm4  }
0x8c: {  	v10 =	vmin.u32 v10, $0xFF  }
0x8d: {  	v8 =	vmin.u32 v8, $0xFF  }
0x8e: {  	v9 =	vmin.u32 v9, $0xFF  }
0x8f: {  	v12 =	vmin.u32 v12, $0xFF  }
0x90: {  	v11 =	vmin.u32 v11, $0xFF;
	v1 =	vnsel vm5, $0x0, v1  }
0x91: {  	v13 =	vmin.u32 v13, $0xFF;
	v2 =	vnsel vm1, $0x0, v2;
	[tilespmem:v10+s13+$0x0] =	vst.idx.add.f32.msk $0xffff, v1  }
0x92: {  	v3 =	vnsel vm3, $0x0, v3;
	p0 =	seq.s32 s18, $0x1F;
	v1 =	vmin.u32 v14, $0xFF;
	[tilespmem:v8+s13+$0x0] =	vst.idx.add.f32.msk $0xffff, v2  }
.Ltmp7:
0x93: {  	v2 =	vnsel vm0, $0x0, v4;
	[tilespmem:v9+s13+$0x0] =	vst.idx.add.f32.msk $0xffff, v3;
	(pc) =	sbr.rel @p0 .LBB2_18-.Ltmp7, $4  }
0x94: {  	vm14 =	vmand vm6, vm7;
	v3 =	vnsel vm2, $0x0, v5;
	[tilespmem:v12+s13+$0x0] =	vst.idx.add.f32.msk $0xffff, v2  }
0x95: {  	vm15 =	vmand vm8, vm9;
	v2 =	vnsel vm14, $0x0, v6;
	[tilespmem:v11+s13+$0x0] =	vst.idx.add.f32.msk $0xffff, v3  }
0x96: {  	v3 =	vnsel vm15, $0x0, v7;
	[tilespmem:v13+s13+$0x0] =	vst.idx.add.f32.msk $0xffff, v2  }
0x97: {  	s19 =	sshll.u32 s18, $0x1;
	[tilespmem:v1+s13+$0x0] =	vst.idx.add.f32.msk $0xffff, v3  }
0x98: {  	s20 =	sadd.s32 $0x2, s19  }
0x99: {  	s21 =	sshll.u32 s20, $0x11  }
0x9a: {  	s21 =	sadd.s32 s5, s21  }
0x9b: {  	s21 =	sshrl.u32 s21, $0x3  }
0x9c: {  	s22 =	simm.s32 $0x0;
	s21 =	sadd.s32 s3, s21  }
0x9d: {  	s23 =	simm.s32 $0x80;
	s24 =	simm.s32 $0x100;
	s25 =	sadd.s32 $0x0, s21  }
.LBB2_14:
0x9e: {  	[tilespmem:s22], [sflag:$0x1] =	stream.linear.gather [hbm4b:s25+s2], $0x80, $0x38;
	[tilespmem:$0x10100] =	vst v63  }
0x9f: {  	s25 =	smov.u32 s23;
	s22 =	smov.u32 s24;
	p1 =	sne.s32 s23, $0x3F80  }
.Ltmp8:
0xa0: {  	s23 =	sadd.s32 $0x80, s23;
	(pc) =	sbr.rel @p1 .LBB2_14-.Ltmp8, $2  }
0xa1: {  	_ =	sdelay $0x2  }
0xa2: {  	s24 =	sadd.s32 $0x100, s24;
	s25 =	sadd.s32 s25, s21  }
0xa3: {  	[tilespmem:s22], [sflag:$0x1] =	stream.linear.gather [hbm4b:s25+s2], $0x80, $0x38;
	[tilespmem:$0x10100] =	vst v63  }
0xa4: {  	s20 =	sshll.u32 s20, $0xB  }
0xa5: {  	s21 =	simm.s32 $0x8000;
	s20 =	sadd.s32 s4, s20  }
0xa6: {  	s22 =	simm.s32 $0x10;
	s23 =	simm.s32 $0x8100;
	s24 =	sadd.s32 $0x0, s20  }
.LBB2_16:
0xa7: {  	[tilespmem:s21], [sflag:$0x2] =	stream.linear.gather [hbm4b:s24+s2], $0x80, $0x38;
	[tilespmem:$0x10100] =	vst v63  }
0xa8: {  	s24 =	smov.u32 s22;
	s21 =	smov.u32 s23;
	p1 =	sne.s32 s22, $0x7F0  }
.Ltmp9:
0xa9: {  	s22 =	sadd.s32 $0x10, s22;
	(pc) =	sbr.rel @p1 .LBB2_16-.Ltmp9, $2  }
0xaa: {  	_ =	sdelay $0x2  }
0xab: {  	s23 =	sadd.s32 $0x100, s23;
	s24 =	sadd.s32 s24, s20  }
0xac: {  	[tilespmem:s21], [sflag:$0x2] =	stream.linear.gather [hbm4b:s24+s2], $0x80, $0x38;
	[tilespmem:$0x10100] =	vst v63  }
.LBB2_18:
0xad: {  	_ =	swait.ge [sflag:s11], $0x4000  }
0xae: {  	[sflag:s11] =	ssyncset.done $0x0  }
0xaf: {  	[sflag:s11] =	ssyncadd.s32 $0xFFFFC000  }
0xb0: {  	_ =	swait.ge [sflag:s12], $0x4000  }
0xb1: {  	[sflag:s12] =	ssyncset.done $0x0  }
0xb2: {  	s20 =	simm.s32 $0xF0;
	[sflag:s12] =	ssyncadd.s32 $0xFFFFC000  }
0xb3: {  	v1 =	vld [tilespmem:s20+$0x0]  }
0xb4: {  	v2 =	vld [tilespmem:s20+$0xFFFFFFA0]  }
0xb5: {  	v3 =	vld [tilespmem:s20+$0xFFFFFFB0]  }
0xb6: {  	v5 =	vld [tilespmem:s20+$0xFFFFFFC0]  }
0xb7: {  	v6 =	vld [tilespmem:s20+$0xFFFFFFD0]  }
0xb8: {  	v7 =	vld [tilespmem:s20+$0xFFFFFFE0]  }
0xb9: {  	v15 =	vld [tilespmem:s20+$0xFFFFFFF0]  }
0xba: {  	v11 =	vld [tilespmem:s20+$0xFFFFFF90]  }
0xbb: {  	v4 =	vmul.f32 $1.003921630e+00, v1;
	v8 =	vmul.f32 $1.003921630e+00, v2  }
0xbc: {  	vm1 =	vge.f32 v2, $0.0e+00;
	vm2 =	vle.f32 v2, $2.550000000e+02;
	v2 =	vmul.f32 $1.003921630e+00, v3  }
0xbd: {  	vm0 =	vge.f32 v3, $0.0e+00;
	vm3 =	vle.f32 v3, $2.550000000e+02;
	v3 =	vmul.f32 $1.003921630e+00, v5  }
0xbe: {  	v9 =	vmul.f32 $1.003921630e+00, v6;
	v10 =	vmul.f32 $1.003921630e+00, v7  }
0xbf: {  	s20 =	simm.s32 $0x80F0;
	vm4 =	vge.f32 v5, $0.0e+00;
	v12 =	vmul.f32 $1.003921630e+00, v15;
	v14 =	vmul.f32 $1.003921630e+00, v11  }
0xc0: {  	v13 =	vld [tilespmem:s20+$0x0];
	vm6 =	vge.f32 v1, $0.0e+00;
	vm7 =	vle.f32 v1, $2.550000000e+02;
	vm9 =	vle.f32 v5, $2.550000000e+02  }
0xc1: {  	vm10 =	vge.f32 v6, $0.0e+00;
	vm6 =	vmand vm6, vm7;
	vm1 =	vmand vm1, vm2  }
0xc2: {  	vm2 =	vle.f32 v6, $2.550000000e+02;
	vm3 =	vmand vm0, vm3;
	v4 =	vtrunc.f32 v4  }
0xc3: {  	vm0 =	vmand vm4, vm9;
	v8 =	vtrunc.f32 v8;
	v4 =	vcvt.f32.s32 v4  }
0xc4: {  	vm9 =	vle.f32 v15, $2.550000000e+02;
	v2 =	vtrunc.f32 v2;
	v3 =	vtrunc.f32 v3  }
0xc5: {  	v9 =	vtrunc.f32 v9;
	v18 =	vnsel vm6, $0x0, v13;
	vm5 =	vgt.s32 v4, $0x0  }
0xc6: {  	v8 =	vcvt.f32.s32 v8;
	v17 =	vcvt.f32.s32 v3;
	v4 =	vnsel vm5, $0x0, v4  }
0xc7: {  	v13 =	vcvt.f32.s32 v9;
	v16 =	vmin.u32 v4, $0xFF;
	v4 =	vtrunc.f32 v10  }
0xc8: {  	vm2 =	vmand vm10, vm2;
	v10 =	vtrunc.f32 v12;
	v12 =	vtrunc.f32 v14  }
0xc9: {  	v1 =	vld [tilespmem:s20+$0xFFFFFF90];
	vm7 =	vgt.s32 v8, $0x0;
	vm5 =	vge.f32 v11, $0.0e+00;
	v12 =	vcvt.f32.s32 v12  }
0xca: {  	v5 =	vld [tilespmem:s20+$0xFFFFFFD0];
	v8 =	vnsel vm7, $0x0, v8;
	vm7 =	vgt.s32 v13, $0x0;
	v14 =	vcvt.f32.s32 v2  }
0xcb: {  	v6 =	vld [tilespmem:s20+$0xFFFFFFE0];
	v19 =	vcvt.f32.s32 v4;
	v20 =	vcvt.f32.s32 v10;
	vm6 =	vgt.s32 v12, $0x0  }
0xcc: {  	v3 =	vld [tilespmem:s20+$0xFFFFFFB0];
	vm8 =	vgt.s32 v14, $0x0;
	v10 =	vnsel vm6, $0x0, v12;
	vm6 =	vgt.s32 v17, $0x0  }
0xcd: {  	v2 =	vld [tilespmem:s20+$0xFFFFFFA0];
	v9 =	vnsel vm8, $0x0, v14;
	vm8 =	vgt.s32 v19, $0x0;
	v12 =	vnsel vm6, $0x0, v17  }
0xce: {  	v4 =	vld [tilespmem:s20+$0xFFFFFFC0];
	vm6 =	vle.f32 v11, $2.550000000e+02;
	v11 =	vnsel vm7, $0x0, v13;
	v13 =	vnsel vm8, $0x0, v19  }
0xcf: {  	vm7 =	vgt.s32 v20, $0x0;
	[tilespmem:v16+s13+$0x0] =	vst.idx.add.f32.msk $0xffff, v18;
	vm8 =	vge.f32 v15, $0.0e+00;
	vm5 =	vmand vm5, vm6  }
0xd0: {  	s21 =	simm.s32 $0x0;
	s22 =	simm.s32 $0x1F0;
	v14 =	vnsel vm7, $0x0, v20;
	vm6 =	vge.f32 v7, $0.0e+00;
	vm7 =	vle.f32 v7, $2.550000000e+02;
	v7 =	vld [tilespmem:s20+$0xFFFFFFF0]  }
.LBB2_19:
0xd1: {  	v16 =	vld [tilespmem:s22+$0xFFFFFFA0];
	_ =	sdelay $0x2  }
0xd2: {  	v17 =	vld [tilespmem:s22+$0xFFFFFFB0]  }
0xd3: {  	v15 =	vld [tilespmem:s22+$0x0];
	vm4 =	vmand vm6, vm7;
	v20 =	vnsel vm0, $0x0, v4  }
0xd4: {  	v18 =	vld [tilespmem:s22+$0xFFFFFFC0];
	v22 =	vnsel vm4, $0x0, v6;
	v6 =	vimm.s32 $0x0;
	vm0 =	vge.f32 v16, $0.0e+00  }
0xd5: {  	vm6 =	vmand vm8, vm9;
	v8 =	vmin.u32 v8, $0xFF;
	v6 =	vsel vm0, $0xFFFFFFFF, v6  }
0xd6: {  	v24 =	vnsel vm6, $0x0, v7;
	vm0 =	vle.f32 v16, $2.550000000e+02;
	[tilespmem:$0x1FF60] =	vst v6;
	v6 =	vimm.s32 $0x0  }
0xd7: {  	v7 =	vimm.s32 $0x0;
	v6 =	vsel vm0, $0xFFFFFFFF, v6;
	vm0 =	vge.f32 v17, $0.0e+00  }
0xd8: {  	v14 =	vmin.u32 v14, $0xFF;
	v19 =	vld [tilespmem:s22+$0xFFFFFFD0];
	v4 =	vmul.f32 $1.003921630e+00, v15;
	v7 =	vsel vm0, $0xFFFFFFFF, v7  }
0xd9: {  	v25 =	vld [tilespmem:s22+$0xFFFFFF90];
	[tilespmem:$0x1FF80] =	vst v7;
	v7 =	vmul.f32 $1.003921630e+00, v18  }
0xda: {  	v10 =	vmin.u32 v10, $0xFF;
	v61 =	vld [tilespmem:s22+$0xFFFFFFF0];
	v2 =	vnsel vm1, $0x0, v2;
	v4 =	vtrunc.f32 v4  }
0xdb: {  	s20 =	sadd.s32 $0x100, s20;
	[tilespmem:v8+s13+$0x0] =	vst.idx.add.f32.msk $0xffff, v2;
	v4 =	vcvt.f32.s32 v4;
	v7 =	vtrunc.f32 v7  }
0xdc: {  	v29 =	vcvt.f32.s32 v7;
	v7 =	vld [tilespmem:s20+$0xFFFFFFF0]  }
0xdd: {  	v1 =	vnsel vm5, $0x0, v1;
	vm5 =	vgt.s32 v4, $0x0;
	[tilespmem:v14+s13+$0x0] =	vst.idx.add.f32.msk $0xffff, v24  }
0xde: {  	v9 =	vmin.u32 v9, $0xFF;
	v2 =	vnsel vm5, $0x0, v4;
	v4 =	vmul.f32 $1.003921630e+00, v25;
	v14 =	vld [tilespmem:$0x1FF60]  }
0xdf: {  	v12 =	vmin.u32 v12, $0xFF;
	[tilespmem:v10+s13+$0x0] =	vst.idx.add.f32.msk $0xffff, v1;
	v1 =	vimm.s32 $0x0;
	v10 =	vmul.f32 $1.003921630e+00, v19  }
0xe0: {  	vm6 =	vge.f32 v15, $0.0e+00;
	vm7 =	vle.f32 v15, $2.550000000e+02;
	v4 =	vtrunc.f32 v4  }
0xe1: {  	v23 =	vld [tilespmem:s22+$0xFFFFFFE0];
	v10 =	vtrunc.f32 v10;
	vm0 =	vge.f32 v18, $0.0e+00;
	v15 =	vcvt.f32.s32 v4  }
0xe2: {  	[tilespmem:$0x1FF70] =	vst v6;
	v1 =	vsel vm0, $0xFFFFFFFF, v1;
	vm0 =	vle.f32 v25, $2.550000000e+02;
	vm5 =	vge.f32 v25, $0.0e+00  }
0xe3: {  	vm5 =	vmand vm5, vm0;
	vm1 =	vgt.s32 v15, $0x0;
	vm0 =	vnez.u8 v14;
	v14 =	vld [tilespmem:$0x1FF70]  }
0xe4: {  	v11 =	vmin.u32 v11, $0xFF;
	v30 =	vcvt.f32.s32 v10;
	v10 =	vnsel vm1, $0x0, v15;
	v15 =	vld [tilespmem:$0x1FF80]  }
0xe5: {  	v13 =	vmin.u32 v13, $0xFF;
	v3 =	vnsel vm3, $0x0, v3;
	v21 =	vnsel vm2, $0x0, v5  }
0xe6: {  	v5 =	vmul.f32 $1.003921630e+00, v16;
	vm3 =	vle.f32 v17, $2.550000000e+02;
	v8 =	vmul.f32 $1.003921630e+00, v23  }
0xe7: {  	[tilespmem:v9+s13+$0x0] =	vst.idx.add.f32.msk $0xffff, v3;
	v3 =	vmul.f32 $1.003921630e+00, v61;
	vm2 =	vle.f32 v18, $2.550000000e+02;
	vm10 =	vge.f32 v19, $0.0e+00  }
0xe8: {  	v9 =	vld [tilespmem:s20+$0x0];
	vm4 =	vle.f32 v19, $2.550000000e+02;
	vm8 =	vge.f32 v61, $0.0e+00;
	[tilespmem:$0x1FF90] =	vst v1;
	vm1 =	vnez.u8 v14  }
0xe9: {  	v5 =	vtrunc.f32 v5;
	vm1 =	vmand vm0, vm1;
	vm0 =	vnez.u8 v15;
	v15 =	vld [tilespmem:$0x1FF90]  }
0xea: {  	vm9 =	vle.f32 v61, $2.550000000e+02;
	v8 =	vtrunc.f32 v8;
	v26 =	vtrunc.f32 v3;
	v3 =	vld [tilespmem:s20+$0xFFFFFFB0]  }
0xeb: {  	v27 =	vcvt.f32.s32 v5;
	v5 =	vld [tilespmem:s20+$0xFFFFFFD0];
	v31 =	vcvt.f32.s32 v8;
	v8 =	vimm.s32 $0x0  }
0xec: {  	vm6 =	vmand vm6, vm7;
	[tilespmem:v11+s13+$0x0] =	vst.idx.add.f32.msk $0xffff, v21;
	v6 =	vmul.f32 $1.003921630e+00, v17;
	v8 =	vsel vm2, $0xFFFFFFFF, v8  }
0xed: {  	vm7 =	vle.f32 v23, $2.550000000e+02;
	v63 =	vcvt.f32.s32 v26;
	[tilespmem:$0x1FFA0] =	vst v8;
	v1 =	vld [tilespmem:s20+$0xFFFFFF90];
	v62 =	vmin.u32 v2, $0xFF  }
0xee: {  	s21 =	sadd.s32 $0x8, s21;
	v6 =	vtrunc.f32 v6;
	vm3 =	vmand vm0, vm3;
	vm0 =	vnez.u8 v15;
	v15 =	vld [tilespmem:$0x1FFA0]  }
0xef: {  	p1 =	slt.u32 s21, $0x3F8;
	vm11 =	vgt.s32 v27, $0x0;
	vm14 =	vgt.s32 v30, $0x0;
	v2 =	vld [tilespmem:s20+$0xFFFFFFA0];
	v28 =	vcvt.f32.s32 v6  }
.Ltmp10:
0xf0: {  	vm15 =	vgt.s32 v31, $0x0;
	vm2 =	vgt.s32 v63, $0x0;
	v8 =	vnsel vm11, $0x0, v27;
	v4 =	vld [tilespmem:s20+$0xFFFFFFC0];
	(pc) =	sbr.rel @p1 .LBB2_19-.Ltmp10, $4  }
0xf1: {  	v11 =	vnsel vm14, $0x0, v30;
	v6 =	vnsel vm6, $0x0, v9;
	vm12 =	vgt.s32 v28, $0x0;
	[tilespmem:v12+s13+$0x0] =	vst.idx.add.f32.msk $0xffff, v20  }
0xf2: {  	vm6 =	vge.f32 v23, $0.0e+00;
	vm13 =	vgt.s32 v29, $0x0;
	v9 =	vnsel vm12, $0x0, v28;
	[tilespmem:v62+s13+$0x0] =	vst.idx.add.f32.msk $0xffff, v6  }
0xf3: {  	v12 =	vnsel vm13, $0x0, v29;
	v6 =	vld [tilespmem:s20+$0xFFFFFFE0];
	v14 =	vnsel vm2, $0x0, v63;
	vm2 =	vnez.u8 v15  }
0xf4: {  	s22 =	sadd.s32 $0x100, s22;
	[tilespmem:v13+s13+$0x0] =	vst.idx.add.f32.msk $0xffff, v22;
	v13 =	vnsel vm15, $0x0, v31;
	vm0 =	vmand vm0, vm2;
	vm2 =	vmand vm10, vm4  }
0xf5: {  	v10 =	vmin.u32 v10, $0xFF  }
0xf6: {  	v8 =	vmin.u32 v8, $0xFF  }
0xf7: {  	v9 =	vmin.u32 v9, $0xFF  }
0xf8: {  	v12 =	vmin.u32 v12, $0xFF  }
0xf9: {  	v11 =	vmin.u32 v11, $0xFF;
	v1 =	vnsel vm5, $0x0, v1  }
0xfa: {  	v13 =	vmin.u32 v13, $0xFF;
	v2 =	vnsel vm1, $0x0, v2;
	[tilespmem:v10+s13+$0x0] =	vst.idx.add.f32.msk $0xffff, v1  }
0xfb: {  	v3 =	vnsel vm3, $0x0, v3;
	v1 =	vmin.u32 v14, $0xFF;
	[tilespmem:v8+s13+$0x0] =	vst.idx.add.f32.msk $0xffff, v2  }
.Ltmp11:
0xfc: {  	v2 =	vnsel vm0, $0x0, v4;
	[tilespmem:v9+s13+$0x0] =	vst.idx.add.f32.msk $0xffff, v3;
	(pc) =	sbr.rel @p0 .LBB2_26-.Ltmp11, $4  }
0xfd: {  	vm14 =	vmand vm6, vm7;
	v3 =	vnsel vm2, $0x0, v5;
	[tilespmem:v12+s13+$0x0] =	vst.idx.add.f32.msk $0xffff, v2  }
0xfe: {  	vm15 =	vmand vm8, vm9;
	v2 =	vnsel vm14, $0x0, v6;
	[tilespmem:v11+s13+$0x0] =	vst.idx.add.f32.msk $0xffff, v3  }
0xff: {  	v3 =	vnsel vm15, $0x0, v7;
	[tilespmem:v13+s13+$0x0] =	vst.idx.add.f32.msk $0xffff, v2  }
0x100: {  	[tilespmem:v1+s13+$0x0] =	vst.idx.add.f32.msk $0xffff, v3  }
0x101: {  	s19 =	sadd.s32 $0x3, s19  }
0x102: {  	s20 =	sshll.u32 s19, $0x11  }
0x103: {  	s20 =	sadd.s32 s5, s20  }
0x104: {  	s20 =	sshrl.u32 s20, $0x3  }
0x105: {  	s21 =	simm.s32 $0x80;
	s20 =	sadd.s32 s3, s20  }
0x106: {  	s22 =	simm.s32 $0x80;
	s23 =	simm.s32 $0x180;
	s24 =	sadd.s32 $0x0, s20  }
.LBB2_22:
0x107: {  	[tilespmem:s21], [sflag:$0x1] =	stream.linear.gather [hbm4b:s24+s2], $0x80, $0x38;
	[tilespmem:$0x10100] =	vst v63  }
0x108: {  	s24 =	smov.u32 s22;
	s21 =	smov.u32 s23;
	p0 =	sne.s32 s22, $0x3F80  }
.Ltmp12:
0x109: {  	s22 =	sadd.s32 $0x80, s22;
	(pc) =	sbr.rel @p0 .LBB2_22-.Ltmp12, $2  }
0x10a: {  	_ =	sdelay $0x2  }
0x10b: {  	s23 =	sadd.s32 $0x100, s23;
	s24 =	sadd.s32 s24, s20  }
0x10c: {  	[tilespmem:s21], [sflag:$0x1] =	stream.linear.gather [hbm4b:s24+s2], $0x80, $0x38;
	[tilespmem:$0x10100] =	vst v63  }
0x10d: {  	s19 =	sshll.u32 s19, $0xB  }
0x10e: {  	s20 =	simm.s32 $0x8080;
	s19 =	sadd.s32 s4, s19  }
0x10f: {  	s21 =	simm.s32 $0x10;
	s22 =	simm.s32 $0x8180;
	s23 =	sadd.s32 $0x0, s19  }
.LBB2_24:
0x110: {  	[tilespmem:s20], [sflag:$0x2] =	stream.linear.gather [hbm4b:s23+s2], $0x80, $0x38;
	[tilespmem:$0x10100] =	vst v63  }
0x111: {  	s23 =	smov.u32 s21;
	s20 =	smov.u32 s22;
	p0 =	sne.s32 s21, $0x7F0  }
.Ltmp13:
0x112: {  	s21 =	sadd.s32 $0x10, s21;
	(pc) =	sbr.rel @p0 .LBB2_24-.Ltmp13, $2  }
0x113: {  	_ =	sdelay $0x2  }
0x114: {  	s22 =	sadd.s32 $0x100, s22;
	s23 =	sadd.s32 s23, s19  }
.Ltmp14:
0x115: {  	(pc) =	sbr.rel .LBB2_10-.Ltmp14, $3  }
0x116: {  	_ =	sdelay $0x1  }
0x117: {  	[tilespmem:s20], [sflag:$0x2] =	stream.linear.gather [hbm4b:s23+s2], $0x80, $0x38;
	[tilespmem:$0x10100] =	vst v63  }
0x118: {  	s18 =	sadd.s32 $0x1, s18  }
.LBB2_27:
0x119: {  	_ =	sfence.sel $0x180000  }
0x11a: {  	[bflag:$0x0] =	sbarrier.arrive $0xFFFF  }
0x11b: {  	p0 =	sne.s32 s1, $0x0;
	_ =	strace $0x9000004A  }
0x11c: {  	s0 =	sadd.s32 @!p0 $0x100000, s0;
	[bflag:$0x2] =	sbarrier.arrive $0xFFFF  }
0x11d: {  	[sflag:s0] =	ssyncadd.tile.s32 @!p0 $0x1;
	_ =	shalt  }
.Lfunc_end2:
_tile_overlayer_lowered:
.L_overlay_start_2:
0x11e: {  	(tag) =	ssettag $0x2  }
0x11f: {  	s0 =	rddreg [dreg:$0x0];
	s2 =	stileid.u32  }
0x120: {  	s1 =	rddreg [dreg:$0x1];
	p0 =	sne.s32 s2, $0x0  }
0x121: {  	s3 =	rddreg [dreg:$0x2];
	[bflag:$0x3] =	sbarrier.arrive $0xFFFF;
	s2 =	simm.s32 @!p0 $0x1C03  }
0x122: {  	[timem:s3], [sflag:s2] =	dma.local @!p0 [hbm:s0], s1  }
0x123: {  	s0 =	simm.s32 @!p0 $0x3  }
0x124: {  	_ =	swait.ge @!p0 [sflag:s0], s1  }
0x125: {  	s1 =	ssub.s32 @!p0 $0x0, s1;
	[sflag:s0] =	ssyncset.done @!p0 $0x0  }
0x126: {  	[sflag:s0] =	ssyncadd.s32 @!p0 s1  }
0x127: {  	[bflag:$0x3] =	sbarrier.arrive $0xFFFF  }
0x128: {  	_ =	shalt  }

// kernel: sparse-core-data-format-call.cloned.1.call-start
scs
called_computation_lowered:
.L_overlay_start_0:
0x0: {  	s2 =	sld [smem:$0x3FD9]  }
0x1: {  	s3 =	sld [smem:$0x3FFE];
	_ =	sdelay $0x1  }
0x2: {  	s1 =	srdreg.scid  }
0x3: {  	s0 =	sand.u32 $0x1, s1  }
0x4: {  	s18 =	sshll.u32 s0, $0xA;
	s2 =	sadd.s32 s3, s2  }
0x5: {  	s2 =	sadd.s32 s2, s18  }
0x6: {  	[smem:$0x3FC7] =	sst s2  }
0x7: {  	_ = 	snop  }
0x8: {  	s2 =	sld [smem:$0x3FC9];
	(tm) =	ssettm $0x1  }
0x9: {  	s19 =	sld [smem:$0x3FFB];
	_ =	sdelay $0x3  }
0xa: {  	_ =	strace s19  }
0xb: {  	s3 =	sld [smem:$0x3FFC];
	_ =	sdelay $0x3  }
0xc: {  	_ =	strace s3  }
0xd: {  	s3 =	sld [smem:$0x3FFD];
	_ =	sdelay $0x3  }
0xe: {  	_ =	strace s3  }
0xf: {  	_ =	strace $0x8FFFFFFF  }
0x10: {  	s20 =	sld [smem:$0x3FDB];
	_ =	sdelay $0x1  }
0x11: {  	s4 =	simm.s32 $_scs_section_size  }
0x12: {  	s5 =	simm.s32 $_size__tile_overlayer_lowered;
	s6 =	simm.s32 $_tile_overlayer_lowered  }
0x13: {  	s23 =	simm.s32 $0x1BFF;
	s22 =	sshll.u32 s6, $0x1;
	s3 =	sadd.s32 s4, s20  }
0x14: {  	s7 =	simm.s32 $0x0;
	s21 =	sshll.u32 s5, $0x1;
	s5 =	sadd.s32 s22, s3  }
0x15: {  	[timem:s7], [sflag:s23] =	dma.local [hbm:s5], s21  }
0x16: {  	_ =	swait.ge [sflag:s23], s21  }
0x17: {  	s4 =	ssub.s32 $0x0, s21;
	[sflag:s23] =	ssyncset.done $0x0  }
0x18: {  	[sflag:s23] =	ssyncadd.s32 s4;
	_ =	sdelay $0x1  }
0x19: {  	s24 =	simm.s32 $0x1B8B  }
0x1a: {  	_ =	swait.ge [sflag:s24], $0x1  }
0x1b: {  	[sflag:s24] =	ssyncset.done $0x0  }
0x1c: {  	s26 =	simm.s32 $0x1B8E;
	s25 =	sld [smem:$0x3FFE];
	[sflag:s24] =	ssyncadd.s32 $0xFFFFFFFF  }
0x1d: {  	s27 =	simm.s32 $execute0_lowered;
	[smem:$0x3FD2] =	sst s26  }
0x1e: {  	s5 =	sshll.u32 s27, $0x1;
	_ =	strace $0x80000046;
	[dreg:$0x1] =	wrdreg $0xFFFFFFFF  }
0x1f: {  	s28 =	simm.s32 $_size_execute0_lowered;
	s3 =	sadd.s32 s3, s5;
	[dreg:$0x0] =	wrdreg $0x0  }
0x20: {  	s5 =	sshll.u32 s28, $0x1;
	[dreg:$0x2] =	wrdreg s3  }
0x21: {  	[dreg:$0x3] =	wrdreg s5  }
0x22: {  	[dreg:$0x4] =	wrdreg $0xC0  }
0x23: {  	_ =	task [dreg:s7], $0x5FFFF  }
0x24: {  	[dreg:$0x1] =	wrdreg $0xFFFFFFFF  }
0x25: {  	[dreg:$0x0] =	wrdreg $0x60  }
0x26: {  	[dreg:$0x2] =	wrdreg s2  }
0x27: {  	[dreg:$0x3] =	wrdreg s25  }
0x28: {  	[dreg:$0x4] =	wrdreg $0x9  }
0x29: {  	_ =	task.clear_ibuf [dreg:s7], $0x5FFFF;
	_ =	strace $0x90000046  }
0x2a: {  	s29 =	simm.s32 $0x9;
	_ =	strace $0x80000048  }
0x2b: {  	_ =	swait.ge [sflag:s29], $0x1  }
0x2c: {  	[sflag:s29] =	ssyncadd.s32 $0xFFFFFFFF  }
0x2d: {  	_ =	strace $0x90000048  }
0x2e: {  	_ =	sfence  }
0x2f: {  	s30 =	sld [smem:$0x0];
	_ =	sdelay $0x2  }
0x30: {  	s31 =	sshll.u32 s1, $0xD;
	s1 =	sshrl.u32 s1, $0x2  }
0x31: {  	s3 =	sand.u32 $0x4000, s31;
	s1 =	sadd.s32 s1, s30  }
0x32: {  	s0 =	sor.u32 s3, s0;
	s1 =	sshll.u32 s1, $0x11  }
0x33: {  	s0 =	sor.u32 s1, s0  }
0x34: {  	s0 =	sadd.s32 $0x8F2B, s0  }
0x35: {  	[sflag:s0] =	ssyncadd.remote.s32 $0x1  }
0x36: {  	_ =	sfence.sel $0xFFFF  }
0x37: {  	[dreg:$0x0] =	wrdreg $0xFFFFFFFF;
	(pc) =	sbr.abs _section_cstart, $3  }
0x38: {  	[dreg:$0x1] =	wrdreg $0xFFFFFFFF  }
0x39: {  	_ =	task.clear_ibuf [dreg:s7], $0x2FFFF;
	_ =	strace $0x9FFFFFFF  }
0x3a: {  	(tm) =	ssettm $0x7FFFFFFF  }
0x3b: {  	_ =	shalt  }
tec
execute0_lowered:
.L_overlay_start_1:
0x0: {  	(tag) =	ssettag $0x1  }
0x1: {  	s2 =	rddreg [dreg:$0x0]  }
0x2: {  	s1 =	rddreg [dreg:$0x1]  }
0x3: {  	s0 =	rddreg [dreg:$0x2];
	s4 =	srdreg.scid  }
0x4: {  	_ =	strace $0x80000047;
	s7 =	simm.s32 $0x2;
	s13 =	simm.s32 $0x0  }
0x5: {  	p0 =	por $0x0, $0x0;
	s14 =	simm.s32 $0x0;
	s16 =	simm.s32 $0x0  }
0x6: {  	s15 =	simm.s32 $0x0;
	s9 =	simm.s32 $0x0;
	s10 =	simm.s32 $0x0  }
.Ltmp0:
0x7: {  	s3 =	sadd.s32 $0x800, s1;
	s4 =	sshll.u32 s4, $0x4;
	(pc) =	sbr.rel .LBB1_1-.Ltmp0, $4  }
0x8: {  	s1 =	stileid.u32;
	s5 =	sand.u32 $0x10, s4;
	s4 =	simm.s32 $0x1  }
0x9: {  	s8 =	simm.s32 $0x0;
	s6 =	sor.u32 s1, s5;
	[sflag:s4] =	ssyncpa.u1 $0x0  }
0xa: {  	s5 =	sand.u32 $0x3, s1;
	s6 =	sshrl.u32 s6, $0x2;
	[sflag:s7] =	ssyncpa.u1 $0x0  }
0xb: {  	s7 =	simm.s32 $0x2000;
	s12 =	smov.u32 s5;
	s11 =	smov.u32 s6  }
.LBB1_5:
0xc: {  	s17 =	sadd.s32 $0x80, s9  }
0xd: {  	s13 =	sadd.s32 $0x80, s10;
	s18 =	smov.u32 s10;
	p2 =	sgt.s32 s17, $0x3FF  }
0xe: {  	s18 =	smov.u32 @p2 s13  }
0xf: {  	s19 =	smov.u32 s11;
	s13 =	sadd.s32 $0x8, s11;
	p3 =	sgt.s32 s18, $0x3FF  }
0x10: {  	s19 =	smov.u32 @p3 s13  }
0x11: {  	s20 =	smov.u32 s12;
	s13 =	sadd.s32 $0x4, s12;
	p4 =	sgt.s32 s19, $0x7  }
0x12: {  	p1 =	slt.u32 s8, $0x2;
	s20 =	smov.u32 @p4 s13  }
0x13: {  	s8 =	sadd.s32 $0x1, s8;
	s17 =	simm.s32 @p2 $0x0;
	p2 =	sgt.s32 s20, $0x3  }
0x14: {  	s21 =	simm.s32 @!p1 $0x2;
	s20 =	smov.u32 @p2 s5;
	p2 =	sne.s32 s8, $0x42  }
.Ltmp1:
0x15: {  	s14 =	smov.u32 s10;
	_ =	swait.ge @!p1 [sflag:s21], $0x4000;
	(pc) =	sbr.rel @!p2 .LBB1_6-.Ltmp1, $4  }
0x16: {  	s16 =	smov.u32 s11;
	s15 =	smov.u32 s12;
	[sflag:s21] =	ssyncset.done @!p1 $0x0  }
0x17: {  	p0 =	por !p0, !p0;
	s18 =	simm.s32 @p3 $0x0;
	[sflag:s21] =	ssyncadd.s32 @!p1 $0xFFFFC000  }
0x18: {  	s10 =	smov.u32 s18;
	s19 =	smov.u32 @p4 s6;
	s13 =	smov.u32 s9  }
0x19: {  	s9 =	smov.u32 s17;
	s11 =	smov.u32 s19;
	s12 =	smov.u32 s20  }
.LBB1_1:
0x1a: {  	p1 =	sgt.u32 s8, $0x3F  }
0x1b: {  	s17 =	sxor.u32 @!p1 $0xFFFFFFFF, s8;
	s18 =	sshll.u32 @!p1 s10, $0x7;
	s19 =	sand.u32 @!p1 $0x78, s9  }
0x1c: {  	s21 =	sshll.u32 @!p1 s11, $0x11;
	s17 =	sshll.u32 @!p1 s17, $0xE;
	s20 =	sand.u32 @!p1 $0x380, s18  }
0x1d: {  	s18 =	sand.u32 @!p1 $0x1FC00, s18;
	s19 =	sor.u32 @!p1 s19, s20;
	s20 =	sshll.u32 @!p1 s12, $0x14  }
0x1e: {  	s17 =	sand.u32 @!p1 $0x4000, s17;
	s18 =	sadd.s32 @!p1 s9, s18;
	s20 =	sadd.s32 @!p1 s2, s20  }
0x1f: {  	s19 =	sshrl.u32 @!p1 s19, $0x3;
	s20 =	sadd.s32 @!p1 s21, s20;
	s21 =	sand.u32 @!p1 $0x7, s9  }
0x20: {  	s18 =	sand.u32 @!p1 $0x1FF80, s18;
	s19 =	sadd.s32 @!p1 s19, s20;
	s20 =	sshll.u32 @!p1 s21, $0x12  }
0x21: {  	s18 =	sadd.s32 @!p1 s18, s19;
	s19 =	sor.u32 @!p1 $0x400, s20;
	s20 =	simm.s32 @!p1 $0x2000  }
0x22: {  	[tilespmem:s17], [sflag:$0x1] =	stream.strided.gather @!p1 [hbm4b:s18+s19], $0x4000, s20, s19, $0x38;
	[tilespmem:$0x10000] =	vst v63  }
0x23: {  	p1 =	seq.s32 s8, $0x0  }
0x24: {  	p2 =	seq.s32 @!p1 s8, $0x41  }
0x25: {  	p1 =	por p1, p2  }
.Ltmp2:
0x26: {  	_ = 	snop;
	(pc) =	sbr.rel @p1 .LBB1_5-.Ltmp2, $1  }
0x27: {  	_ =	sdelay $0x3  }
0x28: {  	s17 =	simm.s32 $0x1  }
0x29: {  	s17 =	simm.s32 @!p0 $0x0  }
0x2a: {  	s17 =	sshll.u32 s17, $0xE  }
0x2b: {  	s18 =	sor.u32 $0x40, s17  }
0x2c: {  	v1 =	vmov s18;
	_ =	sdelay $0x1  }
0x2d: {  	_ =	swait.ge [sflag:s4], $0x4000  }
0x2e: {  	[sflag:s4] =	ssyncset.done $0x0  }
0x2f: {  	s19 =	simm.s32 $0x0;
	[sflag:s4] =	ssyncadd.s32 $0xFFFFC000  }
0x30: {  	s17 =	sor.u32 $0x8070, s17;
	v7 =	vld.idx.msk [tilespmem:v1+s19+$0x30 ss:$0x1], $0xffff  }
0x31: {  	v0 =	vmov s17;
	v8 =	vld.idx.msk [tilespmem:v1+s19+$0xFFFFFFC0 ss:$0x1], $0xffff  }
0x32: {  	v6 =	vld.idx.msk [tilespmem:v1+s19+$0xFFFFFFD0 ss:$0x1], $0xffff  }
0x33: {  	v4 =	vld.idx.msk [tilespmem:v1+s19+$0xFFFFFFE0 ss:$0x1], $0xffff  }
0x34: {  	v2 =	vld.idx.msk [tilespmem:v1+s19+$0xFFFFFFF0 ss:$0x1], $0xffff  }
0x35: {  	s31 =	sshll.u32 s8, $0xE;
	v3 =	vld.idx.msk [tilespmem:v1+s19+$0x0 ss:$0x1], $0xffff  }
0x36: {  	s17 =	sand.u32 $0x4000, s31;
	v5 =	vld.idx.msk [tilespmem:v1+s19+$0x10 ss:$0x1], $0xffff;
	[tilespmem:v0+s19+$0x0 ss:$0x1] =	vst.idx.msk $0xffff, v7  }
0x37: {  	s20 =	simm.s32 $0x400;
	s18 =	simm.s32 $0x80;
	s17 =	sor.u32 $0x8000, s17;
	[tilespmem:v0+s19+$0xFFFFFF90 ss:$0x1] =	vst.idx.msk $0xffff, v8;
	v7 =	vld.idx.msk [tilespmem:v1+s19+$0x20 ss:$0x1], $0xffff  }
.LBB1_3:
0x38: {  	p1 =	sne.s32 s20, $0xFE00;
	v8 =	vld.idx.msk [tilespmem:v1+s18+$0x30 ss:$0x1], $0xffff;
	[tilespmem:v0+s19+$0xFFFFFFA0 ss:$0x1] =	vst.idx.msk $0xffff, v6  }
0x39: {  	v9 =	vld.idx.msk [tilespmem:v1+s18+$0xFFFFFFC0 ss:$0x1], $0xffff;
	[tilespmem:v0+s19+$0xFFFFFFB0 ss:$0x1] =	vst.idx.msk $0xffff, v4  }
0x3a: {  	v6 =	vld.idx.msk [tilespmem:v1+s18+$0xFFFFFFD0 ss:$0x1], $0xffff;
	[tilespmem:v0+s19+$0xFFFFFFC0 ss:$0x1] =	vst.idx.msk $0xffff, v2  }
.Ltmp3:
0x3b: {  	v4 =	vld.idx.msk [tilespmem:v1+s18+$0xFFFFFFE0 ss:$0x1], $0xffff;
	[tilespmem:v0+s19+$0xFFFFFFD0 ss:$0x1] =	vst.idx.msk $0xffff, v3;
	(pc) =	sbr.rel @p1 .LBB1_3-.Ltmp3, $4  }
0x3c: {  	v2 =	vld.idx.msk [tilespmem:v1+s18+$0xFFFFFFF0 ss:$0x1], $0xffff;
	[tilespmem:v0+s19+$0xFFFFFFE0 ss:$0x1] =	vst.idx.msk $0xffff, v5  }
0x3d: {  	v3 =	vld.idx.msk [tilespmem:v1+s18+$0x0 ss:$0x1], $0xffff;
	[tilespmem:v0+s19+$0xFFFFFFF0 ss:$0x1] =	vst.idx.msk $0xffff, v7;
	s19 =	smov.u32 s18  }
0x3e: {  	v5 =	vld.idx.msk [tilespmem:v1+s19+$0x10 ss:$0x1], $0xffff;
	[tilespmem:v0+s19+$0x0 ss:$0x1] =	vst.idx.msk $0xffff, v8  }
0x3f: {  	s18 =	sshra.s32 s20, $0x2;
	s20 =	sadd.s32 $0x200, s20;
	[tilespmem:v0+s19+$0xFFFFFF90 ss:$0x1] =	vst.idx.msk $0xffff, v9;
	v7 =	vld.idx.msk [tilespmem:v1+s19+$0x20 ss:$0x1], $0xffff  }
0x40: {  	_ =	sdelay $0x3  }
0x41: {  	[tilespmem:v0+s19+$0xFFFFFFA0 ss:$0x1] =	vst.idx.msk $0xffff, v6  }
0x42: {  	v56 =	vld.idx.msk [tilespmem:v1+s18+$0x30 ss:$0x1], $0xffff;
	[tilespmem:v0+s19+$0xFFFFFFB0 ss:$0x1] =	vst.idx.msk $0xffff, v4  }
0x43: {  	v57 =	vld.idx.msk [tilespmem:v1+s18+$0xFFFFFFC0 ss:$0x1], $0xffff;
	[tilespmem:v0+s19+$0xFFFFFFC0 ss:$0x1] =	vst.idx.msk $0xffff, v2  }
0x44: {  	v58 =	vld.idx.msk [tilespmem:v1+s18+$0xFFFFFFD0 ss:$0x1], $0xffff;
	[tilespmem:v0+s19+$0xFFFFFFD0 ss:$0x1] =	vst.idx.msk $0xffff, v3  }
0x45: {  	v59 =	vld.idx.msk [tilespmem:v1+s18+$0xFFFFFFE0 ss:$0x1], $0xffff;
	[tilespmem:v0+s19+$0xFFFFFFE0 ss:$0x1] =	vst.idx.msk $0xffff, v5  }
0x46: {  	v60 =	vld.idx.msk [tilespmem:v1+s18+$0xFFFFFFF0 ss:$0x1], $0xffff;
	[tilespmem:v0+s19+$0xFFFFFFF0 ss:$0x1] =	vst.idx.msk $0xffff, v7  }
0x47: {  	v61 =	vld.idx.msk [tilespmem:v1+s18+$0x0 ss:$0x1], $0xffff;
	[tilespmem:v0+s18+$0x0 ss:$0x1] =	vst.idx.msk $0xffff, v56  }
0x48: {  	v62 =	vld.idx.msk [tilespmem:v1+s18+$0x10 ss:$0x1], $0xffff;
	[tilespmem:v0+s18+$0xFFFFFF90 ss:$0x1] =	vst.idx.msk $0xffff, v57  }
0x49: {  	v63 =	vld.idx.msk [tilespmem:v1+s18+$0x20 ss:$0x1], $0xffff;
	s16 =	sshll.u32 s16, $0x7;
	s28 =	sand.u32 $0x78, s13;
	[tilespmem:v0+s18+$0xFFFFFFA0 ss:$0x1] =	vst.idx.msk $0xffff, v58  }
0x4a: {  	s15 =	sshll.u32 s15, $0x14;
	s14 =	sshll.u32 s14, $0xA;
	s29 =	sand.u32 $0x380, s13;
	[tilespmem:v0+s18+$0xFFFFFFB0 ss:$0x1] =	vst.idx.msk $0xffff, v59  }
.Ltmp4:
0x4b: {  	s16 =	sand.u32 $0x380, s16;
	s15 =	sadd.s32 s3, s15;
	[tilespmem:v0+s18+$0xFFFFFFC0 ss:$0x1] =	vst.idx.msk $0xffff, v60;
	(pc) =	sbr.rel .LBB1_5-.Ltmp4, $4  }
0x4c: {  	s30 =	sand.u32 $0x7, s13;
	s16 =	sor.u32 s16, s28;
	s14 =	sadd.s32 s14, s15;
	[tilespmem:v0+s18+$0xFFFFFFD0 ss:$0x1] =	vst.idx.msk $0xffff, v61  }
0x4d: {  	s13 =	sshll.u32 s30, $0x12;
	s31 =	sshrl.u32 s16, $0x3;
	s14 =	sadd.s32 s29, s14;
	[tilespmem:v0+s18+$0xFFFFFFE0 ss:$0x1] =	vst.idx.msk $0xffff, v62  }
0x4e: {  	s13 =	sor.u32 $0x80, s13;
	s14 =	sadd.s32 s31, s14;
	[tilespmem:v0+s18+$0xFFFFFFF0 ss:$0x1] =	vst.idx.msk $0xffff, v63  }
0x4f: {  	[hbm4b:s14+s13] =	stream.strided.scatter [tilespmem:s17], [sflag:$0x2], $0x4000, s7, s13, $0x38;
	[tilespmem:$0x10000] =	vst v63  }
.LBB1_6:
0x50: {  	_ =	sfence.sel $0x180000  }
0x51: {  	s2 =	simm.s32 $0x1;
	[bflag:$0x0] =	sbarrier.arrive $0xFFFF  }
0x52: {  	s31 =	simm.s32 $0x2;
	[sflag:s2] =	ssyncpa.u1 $0x1  }
0x53: {  	[sflag:s31] =	ssyncpa.u1 $0x1  }
0x54: {  	p0 =	sne.s32 s1, $0x0;
	_ =	strace $0x90000047  }
0x55: {  	s0 =	sadd.s32 @!p0 $0x100000, s0;
	[bflag:$0x2] =	sbarrier.arrive $0xFFFF  }
0x56: {  	[sflag:s0] =	ssyncadd.tile.s32 @!p0 $0x1;
	_ =	shalt  }
.Lfunc_end1:
_tile_overlayer_lowered:
.L_overlay_start_2:
0x57: {  	(tag) =	ssettag $0x2  }
0x58: {  	s0 =	rddreg [dreg:$0x0];
	s2 =	stileid.u32  }
0x59: {  	s1 =	rddreg [dreg:$0x1];
	p0 =	sne.s32 s2, $0x0  }
0x5a: {  	s3 =	rddreg [dreg:$0x2];
	[bflag:$0x3] =	sbarrier.arrive $0xFFFF;
	s2 =	simm.s32 @!p0 $0x1C01  }
0x5b: {  	[timem:s3], [sflag:s2] =	dma.local @!p0 [hbm:s0], s1  }
0x5c: {  	s0 =	simm.s32 @!p0 $0x1  }
0x5d: {  	_ =	swait.ge @!p0 [sflag:s0], s1  }
0x5e: {  	s1 =	ssub.s32 @!p0 $0x0, s1;
	[sflag:s0] =	ssyncset.done @!p0 $0x0  }
0x5f: {  	[sflag:s0] =	ssyncadd.s32 @!p0 s1  }
0x60: {  	[bflag:$0x3] =	sbarrier.arrive $0xFFFF  }
0x61: {  	_ =	shalt  }

</sc_bundles>
